<compile_context>
chip_gen: v7x
topology: tpu7x:2x2x1
jax: 0.10.2.dev20260603
libtpu: 0.0.44.dev20260713+nightly
codegen_flags: <defaults>
</compile_context>

<pallas_src>
import functools

import jax
import jax.numpy as jnp
from jax import lax
from jax.experimental import pallas as pl
from jax.experimental.pallas import tpu as pltpu
from jax.experimental.pallas import tpu_sc as plsc

_CYCLE = 168
_LEN = 336
_BATCH = 1024
_D = 128

_NC = 2
_NS = 16
_NW = _NC * _NS
_BPW = _BATCH // _NW


@functools.partial(
    pl.kernel,
    mesh=plsc.VectorSubcoreMesh(core_axis_name="c", subcore_axis_name="s"),
    out_type=jax.ShapeDtypeStruct((_BATCH, _LEN, _D), jnp.float32),
    scratch_types=[
        pltpu.VMEM((3 * _CYCLE, _D), jnp.float32),
        pltpu.VMEM((_BPW,), jnp.int32),
        pltpu.SemaphoreType.DMA,
    ],
)
def _cycle_gather(data_hbm, idx_hbm, out_hbm, table_v, idx_v, sem):
    wid = lax.axis_index("c") * _NS + lax.axis_index("s")
    base = wid * _BPW
    stage = [
        pltpu.make_async_copy(data_hbm, table_v.at[pl.ds(k * _CYCLE, _CYCLE)], sem)
        for k in range(3)
    ]
    stage.append(pltpu.make_async_copy(idx_hbm.at[pl.ds(base, _BPW)], idx_v, sem))
    for c in stage:
        c.start()
    for c in stage:
        c.wait()

    copies = []
    for h in range(_BPW // 16):
        vec = idx_v[pl.ds(h * 16, 16)]
        for i in range(16):
            c = pltpu.make_async_copy(
                table_v.at[pl.ds(vec[i], _LEN)],
                out_hbm.at[base + h * 16 + i],
                sem,
            )
            c.start()
            copies.append(c)
    for c in copies:
        c.wait()


def kernel(index, length, data):
    shift = jnp.mod(jnp.asarray(length, jnp.int32) - _LEN, _CYCLE)
    idx = jnp.mod(index.astype(jnp.int32) + shift, _CYCLE)
    return _cycle_gather(data, idx)

# --- scband reference (transcript-rebuilt; emitter-appended) ---
"""Pipeline reference for scband-recurrent-cycle-35742717837577 (READ-ONLY COPY).

The authoritative reference and input builder live on the scoring server;
editing this copy changes nothing except your own understanding.
"""

import jax, jax.numpy as jnp
import numpy as np

CYCLE_LEN = 168
CHANNEL_SIZE = 128
BATCH = 1024
LENGTH = 336


def setup_inputs(seed: int = 0) -> dict:
    key = jax.random.key(seed)
    k_idx, k_data = jax.random.split(key)
    index = jax.random.randint(k_idx, (BATCH,), 0, CYCLE_LEN, dtype=jnp.int64 if jax.config.jax_enable_x64 else jnp.int32)
    data = jax.random.normal(k_data, (CYCLE_LEN, CHANNEL_SIZE), dtype=jnp.float32)
    return {"index": index, "length": LENGTH, "data": data}


def reference(index, length, data):
    # gather_index = (index.view(-1,1) + arange(length).view(1,-1)) % cycle_len
    steps = jnp.arange(LENGTH) + (length - LENGTH)
    gather_index = (index.reshape(-1, 1) + steps.reshape(1, -1)) % CYCLE_LEN
    # self.data[gather_index] -> [B, length, channel_size]
    return jnp.take(data, gather_index, axis=0)

if __name__ == "__main__":
    import jax
    _d = setup_inputs()
    print(jax.jit(kernel)(*tuple(_d.values())))

</pallas_src>

<mosaic_0001>
#map = affine_map<(d0, d1) -> (0, 0)>
#map1 = affine_map<(d0, d1) -> (0)>
#map2 = affine_map<(d0, d1) -> (0, 0, 0)>
module attributes {stable_mosaic.version = 14 : i64} {
  func.func @_cycle_gather(%arg0: i32, %arg1: i32, %arg2: memref<168x128xf32, #tpu.memory_space<hbm>>, %arg3: memref<1024xi32, #tpu.memory_space<hbm>>, %arg4: memref<1024x336x128xf32, #tpu.memory_space<hbm>>, %arg5: memref<504x128xf32, #tpu.memory_space<vmem>>, %arg6: memref<32xi32, #tpu.memory_space<vmem>>, %arg7: memref<!tpu.dma_semaphore, #tpu.memory_space<semaphore_mem>>) attributes {dimension_semantics = [#tpu.dimension_semantics<core_parallel>, #tpu.dimension_semantics<subcore_parallel>], iteration_bounds = array<i64: 2, 16>, scalar_prefetch = 0 : i64, scratch_operands = 3 : i64, tpu.core_type = #tpu.core_type<sc_vector_subcore>, window_params = [{transform_indices = #map}, {transform_indices = #map1}, {transform_indices = #map2}]} {
    %mul3A = arith.constant 16 : i32
    %mul3A_0 = arith.muli %arg0, %mul3A : i32
    %add3A = arith.addi %mul3A_0, %arg1 : i32
    %mul3A_1 = arith.constant 32 : i32
    %mul3A_2 = arith.muli %add3A, %mul3A_1 : i32
    %dma_start3A = arith.constant 0 : i32
    %dma_start3A_3 = arith.constant 0 : i32
    %dma_start3A_4 = tpu.memref_slice %arg5[%dma_start3A, %dma_start3A_3] : memref<504x128xf32, #tpu.memory_space<vmem>> -> memref<168x128xf32, #tpu.memory_space<vmem>>
    %dma_start3A_5 = arith.constant 0 : i32
    %dma_start3A_6 = arith.constant 0 : i32
    %dma_start3A_7 = tpu.memref_slice %arg5[%dma_start3A_5, %dma_start3A_6] : memref<504x128xf32, #tpu.memory_space<vmem>> -> memref<168x128xf32, #tpu.memory_space<vmem>>
    tpu.enqueue_dma source(%arg2 : memref<168x128xf32, #tpu.memory_space<hbm>>) target(%dma_start3A_7 : memref<168x128xf32, #tpu.memory_space<vmem>>) target_semaphore(%arg7 : memref<!tpu.dma_semaphore, #tpu.memory_space<semaphore_mem>>)
    %dma_start3A_8 = arith.constant 168 : i32
    %dma_start3A_9 = arith.constant 0 : i32
    %dma_start3A_10 = tpu.memref_slice %arg5[%dma_start3A_8, %dma_start3A_9] : memref<504x128xf32, #tpu.memory_space<vmem>> -> memref<168x128xf32, #tpu.memory_space<vmem>>
    %dma_start3A_11 = arith.constant 168 : i32
    %dma_start3A_12 = arith.constant 0 : i32
    %dma_start3A_13 = tpu.memref_slice %arg5[%dma_start3A_11, %dma_start3A_12] : memref<504x128xf32, #tpu.memory_space<vmem>> -> memref<168x128xf32, #tpu.memory_space<vmem>>
    tpu.enqueue_dma source(%arg2 : memref<168x128xf32, #tpu.memory_space<hbm>>) target(%dma_start3A_13 : memref<168x128xf32, #tpu.memory_space<vmem>>) target_semaphore(%arg7 : memref<!tpu.dma_semaphore, #tpu.memory_space<semaphore_mem>>)
    %dma_start3A_14 = arith.constant 336 : i32
    %dma_start3A_15 = arith.constant 0 : i32
    %dma_start3A_16 = tpu.memref_slice %arg5[%dma_start3A_14, %dma_start3A_15] : memref<504x128xf32, #tpu.memory_space<vmem>> -> memref<168x128xf32, #tpu.memory_space<vmem>>
    %dma_start3A_17 = arith.constant 336 : i32
    %dma_start3A_18 = arith.constant 0 : i32
    %dma_start3A_19 = tpu.memref_slice %arg5[%dma_start3A_17, %dma_start3A_18] : memref<504x128xf32, #tpu.memory_space<vmem>> -> memref<168x128xf32, #tpu.memory_space<vmem>>
    tpu.enqueue_dma source(%arg2 : memref<168x128xf32, #tpu.memory_space<hbm>>) target(%dma_start3A_19 : memref<168x128xf32, #tpu.memory_space<vmem>>) target_semaphore(%arg7 : memref<!tpu.dma_semaphore, #tpu.memory_space<semaphore_mem>>)
    %dma_start3A_20 = tpu.memref_slice %arg3[%mul3A_2] : memref<1024xi32, #tpu.memory_space<hbm>> -> memref<32xi32, #tpu.memory_space<hbm>>
    %dma_start3A_21 = tpu.memref_slice %arg3[%mul3A_2] : memref<1024xi32, #tpu.memory_space<hbm>> -> memref<32xi32, #tpu.memory_space<hbm>>
    tpu.enqueue_dma source(%dma_start3A_21 : memref<32xi32, #tpu.memory_space<hbm>>) target(%arg6 : memref<32xi32, #tpu.memory_space<vmem>>) target_semaphore(%arg7 : memref<!tpu.dma_semaphore, #tpu.memory_space<semaphore_mem>>)
    %dma_wait3A = arith.constant 0 : i32
    %dma_wait3A_22 = arith.constant 0 : i32
    %dma_wait3A_23 = tpu.memref_slice %arg5[%dma_wait3A, %dma_wait3A_22] : memref<504x128xf32, #tpu.memory_space<vmem>> -> memref<168x128xf32, #tpu.memory_space<vmem>>
    %dma_wait3A_24 = arith.constant 0 : i32
    %dma_wait3A_25 = arith.constant 0 : i32
    %dma_wait3A_26 = tpu.memref_slice %arg5[%dma_wait3A_24, %dma_wait3A_25] : memref<504x128xf32, #tpu.memory_space<vmem>> -> memref<168x128xf32, #tpu.memory_space<vmem>>
    tpu.wait_dma2 semaphore(%arg7 : memref<!tpu.dma_semaphore, #tpu.memory_space<semaphore_mem>>) src(%arg2 : memref<168x128xf32, #tpu.memory_space<hbm>>) dst(%dma_wait3A_26 : memref<168x128xf32, #tpu.memory_space<vmem>>)
    %dma_wait3A_27 = arith.constant 168 : i32
    %dma_wait3A_28 = arith.constant 0 : i32
    %dma_wait3A_29 = tpu.memref_slice %arg5[%dma_wait3A_27, %dma_wait3A_28] : memref<504x128xf32, #tpu.memory_space<vmem>> -> memref<168x128xf32, #tpu.memory_space<vmem>>
    %dma_wait3A_30 = arith.constant 168 : i32
    %dma_wait3A_31 = arith.constant 0 : i32
    %dma_wait3A_32 = tpu.memref_slice %arg5[%dma_wait3A_30, %dma_wait3A_31] : memref<504x128xf32, #tpu.memory_space<vmem>> -> memref<168x128xf32, #tpu.memory_space<vmem>>
    tpu.wait_dma2 semaphore(%arg7 : memref<!tpu.dma_semaphore, #tpu.memory_space<semaphore_mem>>) src(%arg2 : memref<168x128xf32, #tpu.memory_space<hbm>>) dst(%dma_wait3A_32 : memref<168x128xf32, #tpu.memory_space<vmem>>)
    %dma_wait3A_33 = arith.constant 336 : i32
    %dma_wait3A_34 = arith.constant 0 : i32
    %dma_wait3A_35 = tpu.memref_slice %arg5[%dma_wait3A_33, %dma_wait3A_34] : memref<504x128xf32, #tpu.memory_space<vmem>> -> memref<168x128xf32, #tpu.memory_space<vmem>>
    %dma_wait3A_36 = arith.constant 336 : i32
    %dma_wait3A_37 = arith.constant 0 : i32
    %dma_wait3A_38 = tpu.memref_slice %arg5[%dma_wait3A_36, %dma_wait3A_37] : memref<504x128xf32, #tpu.memory_space<vmem>> -> memref<168x128xf32, #tpu.memory_space<vmem>>
    tpu.wait_dma2 semaphore(%arg7 : memref<!tpu.dma_semaphore, #tpu.memory_space<semaphore_mem>>) src(%arg2 : memref<168x128xf32, #tpu.memory_space<hbm>>) dst(%dma_wait3A_38 : memref<168x128xf32, #tpu.memory_space<vmem>>)
    %dma_wait3A_39 = tpu.memref_slice %arg3[%mul3A_2] : memref<1024xi32, #tpu.memory_space<hbm>> -> memref<32xi32, #tpu.memory_space<hbm>>
    %dma_wait3A_40 = tpu.memref_slice %arg3[%mul3A_2] : memref<1024xi32, #tpu.memory_space<hbm>> -> memref<32xi32, #tpu.memory_space<hbm>>
    tpu.wait_dma2 semaphore(%arg7 : memref<!tpu.dma_semaphore, #tpu.memory_space<semaphore_mem>>) src(%dma_wait3A_40 : memref<32xi32, #tpu.memory_space<hbm>>) dst(%arg6 : memref<32xi32, #tpu.memory_space<vmem>>)
    %get3A = arith.constant 0 : index
    %get3A_41 = tpu.vector_load %arg6[%get3A] {strides = array<i32>} : memref<32xi32, #tpu.memory_space<vmem>>, vector<16xi32>,
    %get3A_42 = vector.shape_cast %get3A_41 : vector<16xi32> to vector<16xi32>
    %slice3A = vector.extract_strided_slice %get3A_42 {offsets = [0], sizes = [1], strides = [1]} : vector<16xi32> to vector<1xi32>
    %squeeze3A = vector.extract %slice3A[0] : i32 from vector<1xi32>
    %add3A_43 = arith.constant 0 : i32
    %add3A_44 = arith.addi %mul3A_2, %add3A_43 : i32
    %add3A_45 = arith.constant 0 : i32
    %add3A_46 = arith.addi %add3A_44, %add3A_45 : i32
    %dma_start3A_47 = arith.constant 0 : i32
    %dma_start3A_48 = tpu.memref_slice %arg5[%squeeze3A, %dma_start3A_47] : memref<504x128xf32, #tpu.memory_space<vmem>> -> memref<336x128xf32, #tpu.memory_space<vmem>>
    %dma_start3A_49 = arith.constant 0 : i32
    %dma_start3A_50 = arith.constant 0 : i32
    %dma_start3A_51 = tpu.memref_slice %arg4[%add3A_46, %dma_start3A_49, %dma_start3A_50] : memref<1024x336x128xf32, #tpu.memory_space<hbm>> -> memref<1x336x128xf32, #tpu.memory_space<hbm>>
    %dma_start3A_52 = tpu.memref_squeeze %dma_start3A_51 : memref<1x336x128xf32, #tpu.memory_space<hbm>> -> memref<336x128xf32, #tpu.memory_space<hbm>>
    %dma_start3A_53 = arith.constant 0 : i32
    %dma_start3A_54 = arith.constant 0 : i32
    %dma_start3A_55 = tpu.memref_slice %arg4[%add3A_46, %dma_start3A_53, %dma_start3A_54] : memref<1024x336x128xf32, #tpu.memory_space<hbm>> -> memref<1x336x128xf32, #tpu.memory_space<hbm>>
    %dma_start3A_56 = tpu.memref_squeeze %dma_start3A_55 : memref<1x336x128xf32, #tpu.memory_space<hbm>> -> memref<336x128xf32, #tpu.memory_space<hbm>>
    %dma_start3A_57 = arith.constant 0 : i32
    %dma_start3A_58 = tpu.memref_slice %arg5[%squeeze3A, %dma_start3A_57] : memref<504x128xf32, #tpu.memory_space<vmem>> -> memref<336x128xf32, #tpu.memory_space<vmem>>
    tpu.enqueue_dma source(%dma_start3A_58 : memref<336x128xf32, #tpu.memory_space<vmem>>) target(%dma_start3A_56 : memref<336x128xf32, #tpu.memory_space<hbm>>) target_semaphore(%arg7 : memref<!tpu.dma_semaphore, #tpu.memory_space<semaphore_mem>>)
    %slice3A_59 = vector.extract_strided_slice %get3A_42 {offsets = [1], sizes = [1], strides = [1]} : vector<16xi32> to vector<1xi32>
    %squeeze3A_60 = vector.extract %slice3A_59[0] : i32 from vector<1xi32>
    %add3A_61 = arith.constant 0 : i32
    %add3A_62 = arith.addi %mul3A_2, %add3A_61 : i32
    %add3A_63 = arith.constant 1 : i32
    %add3A_64 = arith.addi %add3A_62, %add3A_63 : i32
    %dma_start3A_65 = arith.constant 0 : i32
    %dma_start3A_66 = tpu.memref_slice %arg5[%squeeze3A_60, %dma_start3A_65] : memref<504x128xf32, #tpu.memory_space<vmem>> -> memref<336x128xf32, #tpu.memory_space<vmem>>
    %dma_start3A_67 = arith.constant 0 : i32
    %dma_start3A_68 = arith.constant 0 : i32
    %dma_start3A_69 = tpu.memref_slice %arg4[%add3A_64, %dma_start3A_67, %dma_start3A_68] : memref<1024x336x128xf32, #tpu.memory_space<hbm>> -> memref<1x336x128xf32, #tpu.memory_space<hbm>>
    %dma_start3A_70 = tpu.memref_squeeze %dma_start3A_69 : memref<1x336x128xf32, #tpu.memory_space<hbm>> -> memref<336x128xf32, #tpu.memory_space<hbm>>
    %dma_start3A_71 = arith.constant 0 : i32
    %dma_start3A_72 = arith.constant 0 : i32
    %dma_start3A_73 = tpu.memref_slice %arg4[%add3A_64, %dma_start3A_71, %dma_start3A_72] : memref<1024x336x128xf32, #tpu.memory_space<hbm>> -> memref<1x336x128xf32, #tpu.memory_space<hbm>>
    %dma_start3A_74 = tpu.memref_squeeze %dma_start3A_73 : memref<1x336x128xf32, #tpu.memory_space<hbm>> -> memref<336x128xf32, #tpu.memory_space<hbm>>
    %dma_start3A_75 = arith.constant 0 : i32
    %dma_start3A_76 = tpu.memref_slice %arg5[%squeeze3A_60, %dma_start3A_75] : memref<504x128xf32, #tpu.memory_space<vmem>> -> memref<336x128xf32, #tpu.memory_space<vmem>>
    tpu.enqueue_dma source(%dma_start3A_76 : memref<336x128xf32, #tpu.memory_space<vmem>>) target(%dma_start3A_74 : memref<336x128xf32, #tpu.memory_space<hbm>>) target_semaphore(%arg7 : memref<!tpu.dma_semaphore, #tpu.memory_space<semaphore_mem>>)
    %slice3A_77 = vector.extract_strided_slice %get3A_42 {offsets = [2], sizes = [1], strides = [1]} : vector<16xi32> to vector<1xi32>
    %squeeze3A_78 = vector.extract %slice3A_77[0] : i32 from vector<1xi32>
    %add3A_79 = arith.constant 0 : i32
    %add3A_80 = arith.addi %mul3A_2, %add3A_79 : i32
    %add3A_81 = arith.constant 2 : i32
    %add3A_82 = arith.addi %add3A_80, %add3A_81 : i32
    %dma_start3A_83 = arith.constant 0 : i32
    %dma_start3A_84 = tpu.memref_slice %arg5[%squeeze3A_78, %dma_start3A_83] : memref<504x128xf32, #tpu.memory_space<vmem>> -> memref<336x128xf32, #tpu.memory_space<vmem>>
    %dma_start3A_85 = arith.constant 0 : i32
    %dma_start3A_86 = arith.constant 0 : i32
    %dma_start3A_87 = tpu.memref_slice %arg4[%add3A_82, %dma_start3A_85, %dma_start3A_86] : memref<1024x336x128xf32, #tpu.memory_space<hbm>> -> memref<1x336x128xf32, #tpu.memory_space<hbm>>
    %dma_start3A_88 = tpu.memref_squeeze %dma_start3A_87 : memref<1x336x128xf32, #tpu.memory_space<hbm>> -> memref<336x128xf32, #tpu.memory_space<hbm>>
    %dma_start3A_89 = arith.constant 0 : i32
    %dma_start3A_90 = arith.constant 0 : i32
    %dma_start3A_91 = tpu.memref_slice %arg4[%add3A_82, %dma_start3A_89, %dma_start3A_90] : memref<1024x336x128xf32, #tpu.memory_space<hbm>> -> memref<1x336x128xf32, #tpu.memory_space<hbm>>
    %dma_start3A_92 = tpu.memref_squeeze %dma_start3A_91 : memref<1x336x128xf32, #tpu.memory_space<hbm>> -> memref<336x128xf32, #tpu.memory_space<hbm>>
    %dma_start3A_93 = arith.constant 0 : i32
    %dma_start3A_94 = tpu.memref_slice %arg5[%squeeze3A_78, %dma_start3A_93] : memref<504x128xf32, #tpu.memory_space<vmem>> -> memref<336x128xf32, #tpu.memory_space<vmem>>
    tpu.enqueue_dma source(%dma_start3A_94 : memref<336x128xf32, #tpu.memory_space<vmem>>) target(%dma_start3A_92 : memref<336x128xf32, #tpu.memory_space<hbm>>) target_semaphore(%arg7 : memref<!tpu.dma_semaphore, #tpu.memory_space<semaphore_mem>>)
    %slice3A_95 = vector.extract_strided_slice %get3A_42 {offsets = [3], sizes = [1], strides = [1]} : vector<16xi32> to vector<1xi32>
    %squeeze3A_96 = vector.extract %slice3A_95[0] : i32 from vector<1xi32>
    %add3A_97 = arith.constant 0 : i32
    %add3A_98 = arith.addi %mul3A_2, %add3A_97 : i32
    %add3A_99 = arith.constant 3 : i32
    %add3A_100 = arith.addi %add3A_98, %add3A_99 : i32
    %dma_start3A_101 = arith.constant 0 : i32
    %dma_start3A_102 = tpu.memref_slice %arg5[%squeeze3A_96, %dma_start3A_101] : memref<504x128xf32, #tpu.memory_space<vmem>> -> memref<336x128xf32, #tpu.memory_space<vmem>>
    %dma_start3A_103 = arith.constant 0 : i32
    %dma_start3A_104 = arith.constant 0 : i32
    %dma_start3A_105 = tpu.memref_slice %arg4[%add3A_100, %dma_start3A_103, %dma_start3A_104] : memref<1024x336x128xf32, #tpu.memory_space<hbm>> -> memref<1x336x128xf32, #tpu.memory_space<hbm>>
    %dma_start3A_106 = tpu.memref_squeeze %dma_start3A_105 : memref<1x336x128xf32, #tpu.memory_space<hbm>> -> memref<336x128xf32, #tpu.memory_space<hbm>>
    %dma_start3A_107 = arith.constant 0 : i32
    %dma_start3A_108 = arith.constant 0 : i32
    %dma_start3A_109 = tpu.memref_slice %arg4[%add3A_100, %dma_start3A_107, %dma_start3A_108] : memref<1024x336x128xf32, #tpu.memory_space<hbm>> -> memref<1x336x128xf32, #tpu.memory_space<hbm>>
    %dma_start3A_110 = tpu.memref_squeeze %dma_start3A_109 : memref<1x336x128xf32, #tpu.memory_space<hbm>> -> memref<336x128xf32, #tpu.memory_space<hbm>>
    %dma_start3A_111 = arith.constant 0 : i32
    %dma_start3A_112 = tpu.memref_slice %arg5[%squeeze3A_96, %dma_start3A_111] : memref<504x128xf32, #tpu.memory_space<vmem>> -> memref<336x128xf32, #tpu.memory_space<vmem>>
    tpu.enqueue_dma source(%dma_start3A_112 : memref<336x128xf32, #tpu.memory_space<vmem>>) target(%dma_start3A_110 : memref<336x128xf32, #tpu.memory_space<hbm>>) target_semaphore(%arg7 : memref<!tpu.dma_semaphore, #tpu.memory_space<semaphore_mem>>)
    %slice3A_113 = vector.extract_strided_slice %get3A_42 {offsets = [4], sizes = [1], strides = [1]} : vector<16xi32> to vector<1xi32>
    %squeeze3A_114 = vector.extract %slice3A_113[0] : i32 from vector<1xi32>
    %add3A_115 = arith.constant 0 : i32
    %add3A_116 = arith.addi %mul3A_2, %add3A_115 : i32
    %add3A_117 = arith.constant 4 : i32
    %add3A_118 = arith.addi %add3A_116, %add3A_117 : i32
    %dma_start3A_119 = arith.constant 0 : i32
    %dma_start3A_120 = tpu.memref_slice %arg5[%squeeze3A_114, %dma_start3A_119] : memref<504x128xf32, #tpu.memory_space<vmem>> -> memref<336x128xf32, #tpu.memory_space<vmem>>
    %dma_start3A_121 = arith.constant 0 : i32
    %dma_start3A_122 = arith.constant 0 : i32
    %dma_start3A_123 = tpu.memref_slice %arg4[%add3A_118, %dma_start3A_121, %dma_start3A_122] : memref<1024x336x128xf32, #tpu.memory_space<hbm>> -> memref<1x336x128xf32, #tpu.memory_space<hbm>>
    %dma_start3A_124 = tpu.memref_squeeze %dma_start3A_123 : memref<1x336x128xf32, #tpu.memory_space<hbm>> -> memref<336x128xf32, #tpu.memory_space<hbm>>
    %dma_start3A_125 = arith.constant 0 : i32
    %dma_start3A_126 = arith.constant 0 : i32
    %dma_start3A_127 = tpu.memref_slice %arg4[%add3A_118, %dma_start3A_125, %dma_start3A_126] : memref<1024x336x128xf32, #tpu.memory_space<hbm>> -> memref<1x336x128xf32, #tpu.memory_space<hbm>>
    %dma_start3A_128 = tpu.memref_squeeze %dma_start3A_127 : memref<1x336x128xf32, #tpu.memory_space<hbm>> -> memref<336x128xf32, #tpu.memory_space<hbm>>
    %dma_start3A_129 = arith.constant 0 : i32
    %dma_start3A_130 = tpu.memref_slice %arg5[%squeeze3A_114, %dma_start3A_129] : memref<504x128xf32, #tpu.memory_space<vmem>> -> memref<336x128xf32, #tpu.memory_space<vmem>>
    tpu.enqueue_dma source(%dma_start3A_130 : memref<336x128xf32, #tpu.memory_space<vmem>>) target(%dma_start3A_128 : memref<336x128xf32, #tpu.memory_space<hbm>>) target_semaphore(%arg7 : memref<!tpu.dma_semaphore, #tpu.memory_space<semaphore_mem>>)
    %slice3A_131 = vector.extract_strided_slice %get3A_42 {offsets = [5], sizes = [1], strides = [1]} : vector<16xi32> to vector<1xi32>
    %squeeze3A_132 = vector.extract %slice3A_131[0] : i32 from vector<1xi32>
    %add3A_133 = arith.constant 0 : i32
    %add3A_134 = arith.addi %mul3A_2, %add3A_133 : i32
    %add3A_135 = arith.constant 5 : i32
    %add3A_136 = arith.addi %add3A_134, %add3A_135 : i32
    %dma_start3A_137 = arith.constant 0 : i32
    %dma_start3A_138 = tpu.memref_slice %arg5[%squeeze3A_132, %dma_start3A_137] : memref<504x128xf32, #tpu.memory_space<vmem>> -> memref<336x128xf32, #tpu.memory_space<vmem>>
    %dma_start3A_139 = arith.constant 0 : i32
    %dma_start3A_140 = arith.constant 0 : i32
    %dma_start3A_141 = tpu.memref_slice %arg4[%add3A_136, %dma_start3A_139, %dma_start3A_140] : memref<1024x336x128xf32, #tpu.memory_space<hbm>> -> memref<1x336x128xf32, #tpu.memory_space<hbm>>
    %dma_start3A_142 = tpu.memref_squeeze %dma_start3A_141 : memref<1x336x128xf32, #tpu.memory_space<hbm>> -> memref<336x128xf32, #tpu.memory_space<hbm>>
    %dma_start3A_143 = arith.constant 0 : i32
    %dma_start3A_144 = arith.constant 0 : i32
    %dma_start3A_145 = tpu.memref_slice %arg4[%add3A_136, %dma_start3A_143, %dma_start3A_144] : memref<1024x336x128xf32, #tpu.memory_space<hbm>> -> memref<1x336x128xf32, #tpu.memory_space<hbm>>
    %dma_start3A_146 = tpu.memref_squeeze %dma_start3A_145 : memref<1x336x128xf32, #tpu.memory_space<hbm>> -> memref<336x128xf32, #tpu.memory_space<hbm>>
    %dma_start3A_147 = arith.constant 0 : i32
    %dma_start3A_148 = tpu.memref_slice %arg5[%squeeze3A_132, %dma_start3A_147] : memref<504x128xf32, #tpu.memory_space<vmem>> -> memref<336x128xf32, #tpu.memory_space<vmem>>
    tpu.enqueue_dma source(%dma_start3A_148 : memref<336x128xf32, #tpu.memory_space<vmem>>) target(%dma_start3A_146 : memref<336x128xf32, #tpu.memory_space<hbm>>) target_semaphore(%arg7 : memref<!tpu.dma_semaphore, #tpu.memory_space<semaphore_mem>>)
    %slice3A_149 = vector.extract_strided_slice %get3A_42 {offsets = [6], sizes = [1], strides = [1]} : vector<16xi32> to vector<1xi32>
    %squeeze3A_150 = vector.extract %slice3A_149[0] : i32 from vector<1xi32>
    %add3A_151 = arith.constant 0 : i32
    %add3A_152 = arith.addi %mul3A_2, %add3A_151 : i32
    %add3A_153 = arith.constant 6 : i32
    %add3A_154 = arith.addi %add3A_152, %add3A_153 : i32
    %dma_start3A_155 = arith.constant 0 : i32
    %dma_start3A_156 = tpu.memref_slice %arg5[%squeeze3A_150, %dma_start3A_155] : memref<504x128xf32, #tpu.memory_space<vmem>> -> memref<336x128xf32, #tpu.memory_space<vmem>>
    %dma_start3A_157 = arith.constant 0 : i32
    %dma_start3A_158 = arith.constant 0 : i32
    %dma_start3A_159 = tpu.memref_slice %arg4[%add3A_154, %dma_start3A_157, %dma_start3A_158] : memref<1024x336x128xf32, #tpu.memory_space<hbm>> -> memref<1x336x128xf32, #tpu.memory_space<hbm>>
    %dma_start3A_160 = tpu.memref_squeeze %dma_start3A_159 : memref<1x336x128xf32, #tpu.memory_space<hbm>> -> memref<336x128xf32, #tpu.memory_space<hbm>>
    %dma_start3A_161 = arith.constant 0 : i32
    %dma_start3A_162 = arith.constant 0 : i32
    %dma_start3A_163 = tpu.memref_slice %arg4[%add3A_154, %dma_start3A_161, %dma_start3A_162] : memref<1024x336x128xf32, #tpu.memory_space<hbm>> -> memref<1x336x128xf32, #tpu.memory_space<hbm>>
    %dma_start3A_164 = tpu.memref_squeeze %dma_start3A_163 : memref<1x336x128xf32, #tpu.memory_space<hbm>> -> memref<336x128xf32, #tpu.memory_space<hbm>>
    %dma_start3A_165 = arith.constant 0 : i32
    %dma_start3A_166 = tpu.memref_slice %arg5[%squeeze3A_150, %dma_start3A_165] : memref<504x128xf32, #tpu.memory_space<vmem>> -> memref<336x128xf32, #tpu.memory_space<vmem>>
    tpu.enqueue_dma source(%dma_start3A_166 : memref<336x128xf32, #tpu.memory_space<vmem>>) target(%dma_start3A_164 : memref<336x128xf32, #tpu.memory_space<hbm>>) target_semaphore(%arg7 : memref<!tpu.dma_semaphore, #tpu.memory_space<semaphore_mem>>)
    %slice3A_167 = vector.extract_strided_slice %get3A_42 {offsets = [7], sizes = [1], strides = [1]} : vector<16xi32> to vector<1xi32>
    %squeeze3A_168 = vector.extract %slice3A_167[0] : i32 from vector<1xi32>
    %add3A_169 = arith.constant 0 : i32
    %add3A_170 = arith.addi %mul3A_2, %add3A_169 : i32
    %add3A_171 = arith.constant 7 : i32
    %add3A_172 = arith.addi %add3A_170, %add3A_171 : i32
    %dma_start3A_173 = arith.constant 0 : i32
    %dma_start3A_174 = tpu.memref_slice %arg5[%squeeze3A_168, %dma_start3A_173] : memref<504x128xf32, #tpu.memory_space<vmem>> -> memref<336x128xf32, #tpu.memory_space<vmem>>
    %dma_start3A_175 = arith.constant 0 : i32
    %dma_start3A_176 = arith.constant 0 : i32
    %dma_start3A_177 = tpu.memref_slice %arg4[%add3A_172, %dma_start3A_175, %dma_start3A_176] : memref<1024x336x128xf32, #tpu.memory_space<hbm>> -> memref<1x336x128xf32, #tpu.memory_space<hbm>>
    %dma_start3A_178 = tpu.memref_squeeze %dma_start3A_177 : memref<1x336x128xf32, #tpu.memory_space<hbm>> -> memref<336x128xf32, #tpu.memory_space<hbm>>
    %dma_start3A_179 = arith.constant 0 : i32
    %dma_start3A_180 = arith.constant 0 : i32
    %dma_start3A_181 = tpu.memref_slice %arg4[%add3A_172, %dma_start3A_179, %dma_start3A_180] : memref<1024x336x128xf32, #tpu.memory_space<hbm>> -> memref<1x336x128xf32, #tpu.memory_space<hbm>>
    %dma_start3A_182 = tpu.memref_squeeze %dma_start3A_181 : memref<1x336x128xf32, #tpu.memory_space<hbm>> -> memref<336x128xf32, #tpu.memory_space<hbm>>
    %dma_start3A_183 = arith.constant 0 : i32
    %dma_start3A_184 = tpu.memref_slice %arg5[%squeeze3A_168, %dma_start3A_183] : memref<504x128xf32, #tpu.memory_space<vmem>> -> memref<336x128xf32, #tpu.memory_space<vmem>>
    tpu.enqueue_dma source(%dma_start3A_184 : memref<336x128xf32, #tpu.memory_space<vmem>>) target(%dma_start3A_182 : memref<336x128xf32, #tpu.memory_space<hbm>>) target_semaphore(%arg7 : memref<!tpu.dma_semaphore, #tpu.memory_space<semaphore_mem>>)
    %slice3A_185 = vector.extract_strided_slice %get3A_42 {offsets = [8], sizes = [1], strides = [1]} : vector<16xi32> to vector<1xi32>
    %squeeze3A_186 = vector.extract %slice3A_185[0] : i32 from vector<1xi32>
    %add3A_187 = arith.constant 0 : i32
    %add3A_188 = arith.addi %mul3A_2, %add3A_187 : i32
    %add3A_189 = arith.constant 8 : i32
    %add3A_190 = arith.addi %add3A_188, %add3A_189 : i32
    %dma_start3A_191 = arith.constant 0 : i32
    %dma_start3A_192 = tpu.memref_slice %arg5[%squeeze3A_186, %dma_start3A_191] : memref<504x128xf32, #tpu.memory_space<vmem>> -> memref<336x128xf32, #tpu.memory_space<vmem>>
    %dma_start3A_193 = arith.constant 0 : i32
    %dma_start3A_194 = arith.constant 0 : i32
    %dma_start3A_195 = tpu.memref_slice %arg4[%add3A_190, %dma_start3A_193, %dma_start3A_194] : memref<1024x336x128xf32, #tpu.memory_space<hbm>> -> memref<1x336x128xf32, #tpu.memory_space<hbm>>
    %dma_start3A_196 = tpu.memref_squeeze %dma_start3A_195 : memref<1x336x128xf32, #tpu.memory_space<hbm>> -> memref<336x128xf32, #tpu.memory_space<hbm>>
    %dma_start3A_197 = arith.constant 0 : i32
    %dma_start3A_198 = arith.constant 0 : i32
    %dma_start3A_199 = tpu.memref_slice %arg4[%add3A_190, %dma_start3A_197, %dma_start3A_198] : memref<1024x336x128xf32, #tpu.memory_space<hbm>> -> memref<1x336x128xf32, #tpu.memory_space<hbm>>
    %dma_start3A_200 = tpu.memref_squeeze %dma_start3A_199 : memref<1x336x128xf32, #tpu.memory_space<hbm>> -> memref<336x128xf32, #tpu.memory_space<hbm>>
    %dma_start3A_201 = arith.constant 0 : i32
    %dma_start3A_202 = tpu.memref_slice %arg5[%squeeze3A_186, %dma_start3A_201] : memref<504x128xf32, #tpu.memory_space<vmem>> -> memref<336x128xf32, #tpu.memory_space<vmem>>
    tpu.enqueue_dma source(%dma_start3A_202 : memref<336x128xf32, #tpu.memory_space<vmem>>) target(%dma_start3A_200 : memref<336x128xf32, #tpu.memory_space<hbm>>) target_semaphore(%arg7 : memref<!tpu.dma_semaphore, #tpu.memory_space<semaphore_mem>>)
    %slice3A_203 = vector.extract_strided_slice %get3A_42 {offsets = [9], sizes = [1], strides = [1]} : vector<16xi32> to vector<1xi32>
    %squeeze3A_204 = vector.extract %slice3A_203[0] : i32 from vector<1xi32>
    %add3A_205 = arith.constant 0 : i32
    %add3A_206 = arith.addi %mul3A_2, %add3A_205 : i32
    %add3A_207 = arith.constant 9 : i32
    %add3A_208 = arith.addi %add3A_206, %add3A_207 : i32
    %dma_start3A_209 = arith.constant 0 : i32
    %dma_start3A_210 = tpu.memref_slice %arg5[%squeeze3A_204, %dma_start3A_209] : memref<504x128xf32, #tpu.memory_space<vmem>> -> memref<336x128xf32, #tpu.memory_space<vmem>>
    %dma_start3A_211 = arith.constant 0 : i32
    %dma_start3A_212 = arith.constant 0 : i32
    %dma_start3A_213 = tpu.memref_slice %arg4[%add3A_208, %dma_start3A_211, %dma_start3A_212] : memref<1024x336x128xf32, #tpu.memory_space<hbm>> -> memref<1x336x128xf32, #tpu.memory_space<hbm>>
    %dma_start3A_214 = tpu.memref_squeeze %dma_start3A_213 : memref<1x336x128xf32, #tpu.memory_space<hbm>> -> memref<336x128xf32, #tpu.memory_space<hbm>>
    %dma_start3A_215 = arith.constant 0 : i32
    %dma_start3A_216 = arith.constant 0 : i32
    %dma_start3A_217 = tpu.memref_slice %arg4[%add3A_208, %dma_start3A_215, %dma_start3A_216] : memref<1024x336x128xf32, #tpu.memory_space<hbm>> -> memref<1x336x128xf32, #tpu.memory_space<hbm>>
    %dma_start3A_218 = tpu.memref_squeeze %dma_start3A_217 : memref<1x336x128xf32, #tpu.memory_space<hbm>> -> memref<336x128xf32, #tpu.memory_space<hbm>>
    %dma_start3A_219 = arith.constant 0 : i32
    %dma_start3A_220 = tpu.memref_slice %arg5[%squeeze3A_204, %dma_start3A_219] : memref<504x128xf32, #tpu.memory_space<vmem>> -> memref<336x128xf32, #tpu.memory_space<vmem>>
    tpu.enqueue_dma source(%dma_start3A_220 : memref<336x128xf32, #tpu.memory_space<vmem>>) target(%dma_start3A_218 : memref<336x128xf32, #tpu.memory_space<hbm>>) target_semaphore(%arg7 : memref<!tpu.dma_semaphore, #tpu.memory_space<semaphore_mem>>)
    %slice3A_221 = vector.extract_strided_slice %get3A_42 {offsets = [10], sizes = [1], strides = [1]} : vector<16xi32> to vector<1xi32>
    %squeeze3A_222 = vector.extract %slice3A_221[0] : i32 from vector<1xi32>
    %add3A_223 = arith.constant 0 : i32
    %add3A_224 = arith.addi %mul3A_2, %add3A_223 : i32
    %add3A_225 = arith.constant 10 : i32
    %add3A_226 = arith.addi %add3A_224, %add3A_225 : i32
    %dma_start3A_227 = arith.constant 0 : i32
    %dma_start3A_228 = tpu.memref_slice %arg5[%squeeze3A_222, %dma_start3A_227] : memref<504x128xf32, #tpu.memory_space<vmem>> -> memref<336x128xf32, #tpu.memory_space<vmem>>
    %dma_start3A_229 = arith.constant 0 : i32
    %dma_start3A_230 = arith.constant 0 : i32
    %dma_start3A_231 = tpu.memref_slice %arg4[%add3A_226, %dma_start3A_229, %dma_start3A_230] : memref<1024x336x128xf32, #tpu.memory_space<hbm>> -> memref<1x336x128xf32, #tpu.memory_space<hbm>>
    %dma_start3A_232 = tpu.memref_squeeze %dma_start3A_231 : memref<1x336x128xf32, #tpu.memory_space<hbm>> -> memref<336x128xf32, #tpu.memory_space<hbm>>
    %dma_start3A_233 = arith.constant 0 : i32
    %dma_start3A_234 = arith.constant 0 : i32
    %dma_start3A_235 = tpu.memref_slice %arg4[%add3A_226, %dma_start3A_233, %dma_start3A_234] : memref<1024x336x128xf32, #tpu.memory_space<hbm>> -> memref<1x336x128xf32, #tpu.memory_space<hbm>>
    %dma_start3A_236 = tpu.memref_squeeze %dma_start3A_235 : memref<1x336x128xf32, #tpu.memory_space<hbm>> -> memref<336x128xf32, #tpu.memory_space<hbm>>
    %dma_start3A_237 = arith.constant 0 : i32
    %dma_start3A_238 = tpu.memref_slice %arg5[%squeeze3A_222, %dma_start3A_237] : memref<504x128xf32, #tpu.memory_space<vmem>> -> memref<336x128xf32, #tpu.memory_space<vmem>>
    tpu.enqueue_dma source(%dma_start3A_238 : memref<336x128xf32, #tpu.memory_space<vmem>>) target(%dma_start3A_236 : memref<336x128xf32, #tpu.memory_space<hbm>>) target_semaphore(%arg7 : memref<!tpu.dma_semaphore, #tpu.memory_space<semaphore_mem>>)
    %slice3A_239 = vector.extract_strided_slice %get3A_42 {offsets = [11], sizes = [1], strides = [1]} : vector<16xi32> to vector<1xi32>
    %squeeze3A_240 = vector.extract %slice3A_239[0] : i32 from vector<1xi32>
    %add3A_241 = arith.constant 0 : i32
    %add3A_242 = arith.addi %mul3A_2, %add3A_241 : i32
    %add3A_243 = arith.constant 11 : i32
    %add3A_244 = arith.addi %add3A_242, %add3A_243 : i32
    %dma_start3A_245 = arith.constant 0 : i32
    %dma_start3A_246 = tpu.memref_slice %arg5[%squeeze3A_240, %dma_start3A_245] : memref<504x128xf32, #tpu.memory_space<vmem>> -> memref<336x128xf32, #tpu.memory_space<vmem>>
    %dma_start3A_247 = arith.constant 0 : i32
    %dma_start3A_248 = arith.constant 0 : i32
    %dma_start3A_249 = tpu.memref_slice %arg4[%add3A_244, %dma_start3A_247, %dma_start3A_248] : memref<1024x336x128xf32, #tpu.memory_space<hbm>> -> memref<1x336x128xf32, #tpu.memory_space<hbm>>
    %dma_start3A_250 = tpu.memref_squeeze %dma_start3A_249 : memref<1x336x128xf32, #tpu.memory_space<hbm>> -> memref<336x128xf32, #tpu.memory_space<hbm>>
    %dma_start3A_251 = arith.constant 0 : i32
    %dma_start3A_252 = arith.constant 0 : i32
    %dma_start3A_253 = tpu.memref_slice %arg4[%add3A_244, %dma_start3A_251, %dma_start3A_252] : memref<1024x336x128xf32, #tpu.memory_space<hbm>> -> memref<1x336x128xf32, #tpu.memory_space<hbm>>
    %dma_start3A_254 = tpu.memref_squeeze %dma_start3A_253 : memref<1x336x128xf32, #tpu.memory_space<hbm>> -> memref<336x128xf32, #tpu.memory_space<hbm>>
    %dma_start3A_255 = arith.constant 0 : i32
    %dma_start3A_256 = tpu.memref_slice %arg5[%squeeze3A_240, %dma_start3A_255] : memref<504x128xf32, #tpu.memory_space<vmem>> -> memref<336x128xf32, #tpu.memory_space<vmem>>
    tpu.enqueue_dma source(%dma_start3A_256 : memref<336x128xf32, #tpu.memory_space<vmem>>) target(%dma_start3A_254 : memref<336x128xf32, #tpu.memory_space<hbm>>) target_semaphore(%arg7 : memref<!tpu.dma_semaphore, #tpu.memory_space<semaphore_mem>>)
    %slice3A_257 = vector.extract_strided_slice %get3A_42 {offsets = [12], sizes = [1], strides = [1]} : vector<16xi32> to vector<1xi32>
    %squeeze3A_258 = vector.extract %slice3A_257[0] : i32 from vector<1xi32>
    %add3A_259 = arith.constant 0 : i32
    %add3A_260 = arith.addi %mul3A_2, %add3A_259 : i32
    %add3A_261 = arith.constant 12 : i32
    %add3A_262 = arith.addi %add3A_260, %add3A_261 : i32
    %dma_start3A_263 = arith.constant 0 : i32
    %dma_start3A_264 = tpu.memref_slice %arg5[%squeeze3A_258, %dma_start3A_263] : memref<504x128xf32, #tpu.memory_space<vmem>> -> memref<336x128xf32, #tpu.memory_space<vmem>>
    %dma_start3A_265 = arith.constant 0 : i32
    %dma_start3A_266 = arith.constant 0 : i32
    %dma_start3A_267 = tpu.memref_slice %arg4[%add3A_262, %dma_start3A_265, %dma_start3A_266] : memref<1024x336x128xf32, #tpu.memory_space<hbm>> -> memref<1x336x128xf32, #tpu.memory_space<hbm>>
    %dma_start3A_268 = tpu.memref_squeeze %dma_start3A_267 : memref<1x336x128xf32, #tpu.memory_space<hbm>> -> memref<336x128xf32, #tpu.memory_space<hbm>>
    %dma_start3A_269 = arith.constant 0 : i32
    %dma_start3A_270 = arith.constant 0 : i32
    %dma_start3A_271 = tpu.memref_slice %arg4[%add3A_262, %dma_start3A_269, %dma_start3A_270] : memref<1024x336x128xf32, #tpu.memory_space<hbm>> -> memref<1x336x128xf32, #tpu.memory_space<hbm>>
    %dma_start3A_272 = tpu.memref_squeeze %dma_start3A_271 : memref<1x336x128xf32, #tpu.memory_space<hbm>> -> memref<336x128xf32, #tpu.memory_space<hbm>>
    %dma_start3A_273 = arith.constant 0 : i32
    %dma_start3A_274 = tpu.memref_slice %arg5[%squeeze3A_258, %dma_start3A_273] : memref<504x128xf32, #tpu.memory_space<vmem>> -> memref<336x128xf32, #tpu.memory_space<vmem>>
    tpu.enqueue_dma source(%dma_start3A_274 : memref<336x128xf32, #tpu.memory_space<vmem>>) target(%dma_start3A_272 : memref<336x128xf32, #tpu.memory_space<hbm>>) target_semaphore(%arg7 : memref<!tpu.dma_semaphore, #tpu.memory_space<semaphore_mem>>)
    %slice3A_275 = vector.extract_strided_slice %get3A_42 {offsets = [13], sizes = [1], strides = [1]} : vector<16xi32> to vector<1xi32>
    %squeeze3A_276 = vector.extract %slice3A_275[0] : i32 from vector<1xi32>
    %add3A_277 = arith.constant 0 : i32
    %add3A_278 = arith.addi %mul3A_2, %add3A_277 : i32
    %add3A_279 = arith.constant 13 : i32
    %add3A_280 = arith.addi %add3A_278, %add3A_279 : i32
    %dma_start3A_281 = arith.constant 0 : i32
    %dma_start3A_282 = tpu.memref_slice %arg5[%squeeze3A_276, %dma_start3A_281] : memref<504x128xf32, #tpu.memory_space<vmem>> -> memref<336x128xf32, #tpu.memory_space<vmem>>
    %dma_start3A_283 = arith.constant 0 : i32
    %dma_start3A_284 = arith.constant 0 : i32
    %dma_start3A_285 = tpu.memref_slice %arg4[%add3A_280, %dma_start3A_283, %dma_start3A_284] : memref<1024x336x128xf32, #tpu.memory_space<hbm>> -> memref<1x336x128xf32, #tpu.memory_space<hbm>>
    %dma_start3A_286 = tpu.memref_squeeze %dma_start3A_285 : memref<1x336x128xf32, #tpu.memory_space<hbm>> -> memref<336x128xf32, #tpu.memory_space<hbm>>
    %dma_start3A_287 = arith.constant 0 : i32
    %dma_start3A_288 = arith.constant 0 : i32
    %dma_start3A_289 = tpu.memref_slice %arg4[%add3A_280, %dma_start3A_287, %dma_start3A_288] : memref<1024x336x128xf32, #tpu.memory_space<hbm>> -> memref<1x336x128xf32, #tpu.memory_space<hbm>>
    %dma_start3A_290 = tpu.memref_squeeze %dma_start3A_289 : memref<1x336x128xf32, #tpu.memory_space<hbm>> -> memref<336x128xf32, #tpu.memory_space<hbm>>
    %dma_start3A_291 = arith.constant 0 : i32
    %dma_start3A_292 = tpu.memref_slice %arg5[%squeeze3A_276, %dma_start3A_291] : memref<504x128xf32, #tpu.memory_space<vmem>> -> memref<336x128xf32, #tpu.memory_space<vmem>>
    tpu.enqueue_dma source(%dma_start3A_292 : memref<336x128xf32, #tpu.memory_space<vmem>>) target(%dma_start3A_290 : memref<336x128xf32, #tpu.memory_space<hbm>>) target_semaphore(%arg7 : memref<!tpu.dma_semaphore, #tpu.memory_space<semaphore_mem>>)
    %slice3A_293 = vector.extract_strided_slice %get3A_42 {offsets = [14], sizes = [1], strides = [1]} : vector<16xi32> to vector<1xi32>
    %squeeze3A_294 = vector.extract %slice3A_293[0] : i32 from vector<1xi32>
    %add3A_295 = arith.constant 0 : i32
    %add3A_296 = arith.addi %mul3A_2, %add3A_295 : i32
    %add3A_297 = arith.constant 14 : i32
    %add3A_298 = arith.addi %add3A_296, %add3A_297 : i32
    %dma_start3A_299 = arith.constant 0 : i32
    %dma_start3A_300 = tpu.memref_slice %arg5[%squeeze3A_294, %dma_start3A_299] : memref<504x128xf32, #tpu.memory_space<vmem>> -> memref<336x128xf32, #tpu.memory_space<vmem>>
    %dma_start3A_301 = arith.constant 0 : i32
    %dma_start3A_302 = arith.constant 0 : i32
    %dma_start3A_303 = tpu.memref_slice %arg4[%add3A_298, %dma_start3A_301, %dma_start3A_302] : memref<1024x336x128xf32, #tpu.memory_space<hbm>> -> memref<1x336x128xf32, #tpu.memory_space<hbm>>
    %dma_start3A_304 = tpu.memref_squeeze %dma_start3A_303 : memref<1x336x128xf32, #tpu.memory_space<hbm>> -> memref<336x128xf32, #tpu.memory_space<hbm>>
    %dma_start3A_305 = arith.constant 0 : i32
    %dma_start3A_306 = arith.constant 0 : i32
    %dma_start3A_307 = tpu.memref_slice %arg4[%add3A_298, %dma_start3A_305, %dma_start3A_306] : memref<1024x336x128xf32, #tpu.memory_space<hbm>> -> memref<1x336x128xf32, #tpu.memory_space<hbm>>
    %dma_start3A_308 = tpu.memref_squeeze %dma_start3A_307 : memref<1x336x128xf32, #tpu.memory_space<hbm>> -> memref<336x128xf32, #tpu.memory_space<hbm>>
    %dma_start3A_309 = arith.constant 0 : i32
    %dma_start3A_310 = tpu.memref_slice %arg5[%squeeze3A_294, %dma_start3A_309] : memref<504x128xf32, #tpu.memory_space<vmem>> -> memref<336x128xf32, #tpu.memory_space<vmem>>
    tpu.enqueue_dma source(%dma_start3A_310 : memref<336x128xf32, #tpu.memory_space<vmem>>) target(%dma_start3A_308 : memref<336x128xf32, #tpu.memory_space<hbm>>) target_semaphore(%arg7 : memref<!tpu.dma_semaphore, #tpu.memory_space<semaphore_mem>>)
    %slice3A_311 = vector.extract_strided_slice %get3A_42 {offsets = [15], sizes = [1], strides = [1]} : vector<16xi32> to vector<1xi32>
    %squeeze3A_312 = vector.extract %slice3A_311[0] : i32 from vector<1xi32>
    %add3A_313 = arith.constant 0 : i32
    %add3A_314 = arith.addi %mul3A_2, %add3A_313 : i32
    %add3A_315 = arith.constant 15 : i32
    %add3A_316 = arith.addi %add3A_314, %add3A_315 : i32
    %dma_start3A_317 = arith.constant 0 : i32
    %dma_start3A_318 = tpu.memref_slice %arg5[%squeeze3A_312, %dma_start3A_317] : memref<504x128xf32, #tpu.memory_space<vmem>> -> memref<336x128xf32, #tpu.memory_space<vmem>>
    %dma_start3A_319 = arith.constant 0 : i32
    %dma_start3A_320 = arith.constant 0 : i32
    %dma_start3A_321 = tpu.memref_slice %arg4[%add3A_316, %dma_start3A_319, %dma_start3A_320] : memref<1024x336x128xf32, #tpu.memory_space<hbm>> -> memref<1x336x128xf32, #tpu.memory_space<hbm>>
    %dma_start3A_322 = tpu.memref_squeeze %dma_start3A_321 : memref<1x336x128xf32, #tpu.memory_space<hbm>> -> memref<336x128xf32, #tpu.memory_space<hbm>>
    %dma_start3A_323 = arith.constant 0 : i32
    %dma_start3A_324 = arith.constant 0 : i32
    %dma_start3A_325 = tpu.memref_slice %arg4[%add3A_316, %dma_start3A_323, %dma_start3A_324] : memref<1024x336x128xf32, #tpu.memory_space<hbm>> -> memref<1x336x128xf32, #tpu.memory_space<hbm>>
    %dma_start3A_326 = tpu.memref_squeeze %dma_start3A_325 : memref<1x336x128xf32, #tpu.memory_space<hbm>> -> memref<336x128xf32, #tpu.memory_space<hbm>>
    %dma_start3A_327 = arith.constant 0 : i32
    %dma_start3A_328 = tpu.memref_slice %arg5[%squeeze3A_312, %dma_start3A_327] : memref<504x128xf32, #tpu.memory_space<vmem>> -> memref<336x128xf32, #tpu.memory_space<vmem>>
    tpu.enqueue_dma source(%dma_start3A_328 : memref<336x128xf32, #tpu.memory_space<vmem>>) target(%dma_start3A_326 : memref<336x128xf32, #tpu.memory_space<hbm>>) target_semaphore(%arg7 : memref<!tpu.dma_semaphore, #tpu.memory_space<semaphore_mem>>)
    %get3A_329 = arith.constant 16 : index
    %get3A_330 = tpu.vector_load %arg6[%get3A_329] {strides = array<i32>} : memref<32xi32, #tpu.memory_space<vmem>>, vector<16xi32>,
    %get3A_331 = vector.shape_cast %get3A_330 : vector<16xi32> to vector<16xi32>
    %slice3A_332 = vector.extract_strided_slice %get3A_331 {offsets = [0], sizes = [1], strides = [1]} : vector<16xi32> to vector<1xi32>
    %squeeze3A_333 = vector.extract %slice3A_332[0] : i32 from vector<1xi32>
    %add3A_334 = arith.constant 16 : i32
    %add3A_335 = arith.addi %mul3A_2, %add3A_334 : i32
    %add3A_336 = arith.constant 0 : i32
    %add3A_337 = arith.addi %add3A_335, %add3A_336 : i32
    %dma_start3A_338 = arith.constant 0 : i32
    %dma_start3A_339 = tpu.memref_slice %arg5[%squeeze3A_333, %dma_start3A_338] : memref<504x128xf32, #tpu.memory_space<vmem>> -> memref<336x128xf32, #tpu.memory_space<vmem>>
    %dma_start3A_340 = arith.constant 0 : i32
    %dma_start3A_341 = arith.constant 0 : i32
    %dma_start3A_342 = tpu.memref_slice %arg4[%add3A_337, %dma_start3A_340, %dma_start3A_341] : memref<1024x336x128xf32, #tpu.memory_space<hbm>> -> memref<1x336x128xf32, #tpu.memory_space<hbm>>
    %dma_start3A_343 = tpu.memref_squeeze %dma_start3A_342 : memref<1x336x128xf32, #tpu.memory_space<hbm>> -> memref<336x128xf32, #tpu.memory_space<hbm>>
    %dma_start3A_344 = arith.constant 0 : i32
    %dma_start3A_345 = arith.constant 0 : i32
    %dma_start3A_346 = tpu.memref_slice %arg4[%add3A_337, %dma_start3A_344, %dma_start3A_345] : memref<1024x336x128xf32, #tpu.memory_space<hbm>> -> memref<1x336x128xf32, #tpu.memory_space<hbm>>
    %dma_start3A_347 = tpu.memref_squeeze %dma_start3A_346 : memref<1x336x128xf32, #tpu.memory_space<hbm>> -> memref<336x128xf32, #tpu.memory_space<hbm>>
    %dma_start3A_348 = arith.constant 0 : i32
    %dma_start3A_349 = tpu.memref_slice %arg5[%squeeze3A_333, %dma_start3A_348] : memref<504x128xf32, #tpu.memory_space<vmem>> -> memref<336x128xf32, #tpu.memory_space<vmem>>
    tpu.enqueue_dma source(%dma_start3A_349 : memref<336x128xf32, #tpu.memory_space<vmem>>) target(%dma_start3A_347 : memref<336x128xf32, #tpu.memory_space<hbm>>) target_semaphore(%arg7 : memref<!tpu.dma_semaphore, #tpu.memory_space<semaphore_mem>>)
    %slice3A_350 = vector.extract_strided_slice %get3A_331 {offsets = [1], sizes = [1], strides = [1]} : vector<16xi32> to vector<1xi32>
    %squeeze3A_351 = vector.extract %slice3A_350[0] : i32 from vector<1xi32>
    %add3A_352 = arith.constant 16 : i32
    %add3A_353 = arith.addi %mul3A_2, %add3A_352 : i32
    %add3A_354 = arith.constant 1 : i32
    %add3A_355 = arith.addi %add3A_353, %add3A_354 : i32
    %dma_start3A_356 = arith.constant 0 : i32
    %dma_start3A_357 = tpu.memref_slice %arg5[%squeeze3A_351, %dma_start3A_356] : memref<504x128xf32, #tpu.memory_space<vmem>> -> memref<336x128xf32, #tpu.memory_space<vmem>>
    %dma_start3A_358 = arith.constant 0 : i32
    %dma_start3A_359 = arith.constant 0 : i32
    %dma_start3A_360 = tpu.memref_slice %arg4[%add3A_355, %dma_start3A_358, %dma_start3A_359] : memref<1024x336x128xf32, #tpu.memory_space<hbm>> -> memref<1x336x128xf32, #tpu.memory_space<hbm>>
    %dma_start3A_361 = tpu.memref_squeeze %dma_start3A_360 : memref<1x336x128xf32, #tpu.memory_space<hbm>> -> memref<336x128xf32, #tpu.memory_space<hbm>>
    %dma_start3A_362 = arith.constant 0 : i32
    %dma_start3A_363 = arith.constant 0 : i32
    %dma_start3A_364 = tpu.memref_slice %arg4[%add3A_355, %dma_start3A_362, %dma_start3A_363] : memref<1024x336x128xf32, #tpu.memory_space<hbm>> -> memref<1x336x128xf32, #tpu.memory_space<hbm>>
    %dma_start3A_365 = tpu.memref_squeeze %dma_start3A_364 : memref<1x336x128xf32, #tpu.memory_space<hbm>> -> memref<336x128xf32, #tpu.memory_space<hbm>>
    %dma_start3A_366 = arith.constant 0 : i32
    %dma_start3A_367 = tpu.memref_slice %arg5[%squeeze3A_351, %dma_start3A_366] : memref<504x128xf32, #tpu.memory_space<vmem>> -> memref<336x128xf32, #tpu.memory_space<vmem>>
    tpu.enqueue_dma source(%dma_start3A_367 : memref<336x128xf32, #tpu.memory_space<vmem>>) target(%dma_start3A_365 : memref<336x128xf32, #tpu.memory_space<hbm>>) target_semaphore(%arg7 : memref<!tpu.dma_semaphore, #tpu.memory_space<semaphore_mem>>)
    %slice3A_368 = vector.extract_strided_slice %get3A_331 {offsets = [2], sizes = [1], strides = [1]} : vector<16xi32> to vector<1xi32>
    %squeeze3A_369 = vector.extract %slice3A_368[0] : i32 from vector<1xi32>
    %add3A_370 = arith.constant 16 : i32
    %add3A_371 = arith.addi %mul3A_2, %add3A_370 : i32
    %add3A_372 = arith.constant 2 : i32
    %add3A_373 = arith.addi %add3A_371, %add3A_372 : i32
    %dma_start3A_374 = arith.constant 0 : i32
    %dma_start3A_375 = tpu.memref_slice %arg5[%squeeze3A_369, %dma_start3A_374] : memref<504x128xf32, #tpu.memory_space<vmem>> -> memref<336x128xf32, #tpu.memory_space<vmem>>
    %dma_start3A_376 = arith.constant 0 : i32
    %dma_start3A_377 = arith.constant 0 : i32
    %dma_start3A_378 = tpu.memref_slice %arg4[%add3A_373, %dma_start3A_376, %dma_start3A_377] : memref<1024x336x128xf32, #tpu.memory_space<hbm>> -> memref<1x336x128xf32, #tpu.memory_space<hbm>>
    %dma_start3A_379 = tpu.memref_squeeze %dma_start3A_378 : memref<1x336x128xf32, #tpu.memory_space<hbm>> -> memref<336x128xf32, #tpu.memory_space<hbm>>
    %dma_start3A_380 = arith.constant 0 : i32
    %dma_start3A_381 = arith.constant 0 : i32
    %dma_start3A_382 = tpu.memref_slice %arg4[%add3A_373, %dma_start3A_380, %dma_start3A_381] : memref<1024x336x128xf32, #tpu.memory_space<hbm>> -> memref<1x336x128xf32, #tpu.memory_space<hbm>>
    %dma_start3A_383 = tpu.memref_squeeze %dma_start3A_382 : memref<1x336x128xf32, #tpu.memory_space<hbm>> -> memref<336x128xf32, #tpu.memory_space<hbm>>
    %dma_start3A_384 = arith.constant 0 : i32
    %dma_start3A_385 = tpu.memref_slice %arg5[%squeeze3A_369, %dma_start3A_384] : memref<504x128xf32, #tpu.memory_space<vmem>> -> memref<336x128xf32, #tpu.memory_space<vmem>>
    tpu.enqueue_dma source(%dma_start3A_385 : memref<336x128xf32, #tpu.memory_space<vmem>>) target(%dma_start3A_383 : memref<336x128xf32, #tpu.memory_space<hbm>>) target_semaphore(%arg7 : memref<!tpu.dma_semaphore, #tpu.memory_space<semaphore_mem>>)
    %slice3A_386 = vector.extract_strided_slice %get3A_331 {offsets = [3], sizes = [1], strides = [1]} : vector<16xi32> to vector<1xi32>
    %squeeze3A_387 = vector.extract %slice3A_386[0] : i32 from vector<1xi32>
    %add3A_388 = arith.constant 16 : i32
    %add3A_389 = arith.addi %mul3A_2, %add3A_388 : i32
    %add3A_390 = arith.constant 3 : i32
    %add3A_391 = arith.addi %add3A_389, %add3A_390 : i32
    %dma_start3A_392 = arith.constant 0 : i32
    %dma_start3A_393 = tpu.memref_slice %arg5[%squeeze3A_387, %dma_start3A_392] : memref<504x128xf32, #tpu.memory_space<vmem>> -> memref<336x128xf32, #tpu.memory_space<vmem>>
    %dma_start3A_394 = arith.constant 0 : i32
    %dma_start3A_395 = arith.constant 0 : i32
    %dma_start3A_396 = tpu.memref_slice %arg4[%add3A_391, %dma_start3A_394, %dma_start3A_395] : memref<1024x336x128xf32, #tpu.memory_space<hbm>> -> memref<1x336x128xf32, #tpu.memory_space<hbm>>
    %dma_start3A_397 = tpu.memref_squeeze %dma_start3A_396 : memref<1x336x128xf32, #tpu.memory_space<hbm>> -> memref<336x128xf32, #tpu.memory_space<hbm>>
    %dma_start3A_398 = arith.constant 0 : i32
    %dma_start3A_399 = arith.constant 0 : i32
    %dma_start3A_400 = tpu.memref_slice %arg4[%add3A_391, %dma_start3A_398, %dma_start3A_399] : memref<1024x336x128xf32, #tpu.memory_space<hbm>> -> memref<1x336x128xf32, #tpu.memory_space<hbm>>
    %dma_start3A_401 = tpu.memref_squeeze %dma_start3A_400 : memref<1x336x128xf32, #tpu.memory_space<hbm>> -> memref<336x128xf32, #tpu.memory_space<hbm>>
    %dma_start3A_402 = arith.constant 0 : i32
    %dma_start3A_403 = tpu.memref_slice %arg5[%squeeze3A_387, %dma_start3A_402] : memref<504x128xf32, #tpu.memory_space<vmem>> -> memref<336x128xf32, #tpu.memory_space<vmem>>
    tpu.enqueue_dma source(%dma_start3A_403 : memref<336x128xf32, #tpu.memory_space<vmem>>) target(%dma_start3A_401 : memref<336x128xf32, #tpu.memory_space<hbm>>) target_semaphore(%arg7 : memref<!tpu.dma_semaphore, #tpu.memory_space<semaphore_mem>>)
    %slice3A_404 = vector.extract_strided_slice %get3A_331 {offsets = [4], sizes = [1], strides = [1]} : vector<16xi32> to vector<1xi32>
    %squeeze3A_405 = vector.extract %slice3A_404[0] : i32 from vector<1xi32>
    %add3A_406 = arith.constant 16 : i32
    %add3A_407 = arith.addi %mul3A_2, %add3A_406 : i32
    %add3A_408 = arith.constant 4 : i32
    %add3A_409 = arith.addi %add3A_407, %add3A_408 : i32
    %dma_start3A_410 = arith.constant 0 : i32
    %dma_start3A_411 = tpu.memref_slice %arg5[%squeeze3A_405, %dma_start3A_410] : memref<504x128xf32, #tpu.memory_space<vmem>> -> memref<336x128xf32, #tpu.memory_space<vmem>>
    %dma_start3A_412 = arith.constant 0 : i32
    %dma_start3A_413 = arith.constant 0 : i32
    %dma_start3A_414 = tpu.memref_slice %arg4[%add3A_409, %dma_start3A_412, %dma_start3A_413] : memref<1024x336x128xf32, #tpu.memory_space<hbm>> -> memref<1x336x128xf32, #tpu.memory_space<hbm>>
    %dma_start3A_415 = tpu.memref_squeeze %dma_start3A_414 : memref<1x336x128xf32, #tpu.memory_space<hbm>> -> memref<336x128xf32, #tpu.memory_space<hbm>>
    %dma_start3A_416 = arith.constant 0 : i32
    %dma_start3A_417 = arith.constant 0 : i32
    %dma_start3A_418 = tpu.memref_slice %arg4[%add3A_409, %dma_start3A_416, %dma_start3A_417] : memref<1024x336x128xf32, #tpu.memory_space<hbm>> -> memref<1x336x128xf32, #tpu.memory_space<hbm>>
    %dma_start3A_419 = tpu.memref_squeeze %dma_start3A_418 : memref<1x336x128xf32, #tpu.memory_space<hbm>> -> memref<336x128xf32, #tpu.memory_space<hbm>>
    %dma_start3A_420 = arith.constant 0 : i32
    %dma_start3A_421 = tpu.memref_slice %arg5[%squeeze3A_405, %dma_start3A_420] : memref<504x128xf32, #tpu.memory_space<vmem>> -> memref<336x128xf32, #tpu.memory_space<vmem>>
    tpu.enqueue_dma source(%dma_start3A_421 : memref<336x128xf32, #tpu.memory_space<vmem>>) target(%dma_start3A_419 : memref<336x128xf32, #tpu.memory_space<hbm>>) target_semaphore(%arg7 : memref<!tpu.dma_semaphore, #tpu.memory_space<semaphore_mem>>)
    %slice3A_422 = vector.extract_strided_slice %get3A_331 {offsets = [5], sizes = [1], strides = [1]} : vector<16xi32> to vector<1xi32>
    %squeeze3A_423 = vector.extract %slice3A_422[0] : i32 from vector<1xi32>
    %add3A_424 = arith.constant 16 : i32
    %add3A_425 = arith.addi %mul3A_2, %add3A_424 : i32
    %add3A_426 = arith.constant 5 : i32
    %add3A_427 = arith.addi %add3A_425, %add3A_426 : i32
    %dma_start3A_428 = arith.constant 0 : i32
    %dma_start3A_429 = tpu.memref_slice %arg5[%squeeze3A_423, %dma_start3A_428] : memref<504x128xf32, #tpu.memory_space<vmem>> -> memref<336x128xf32, #tpu.memory_space<vmem>>
    %dma_start3A_430 = arith.constant 0 : i32
    %dma_start3A_431 = arith.constant 0 : i32
    %dma_start3A_432 = tpu.memref_slice %arg4[%add3A_427, %dma_start3A_430, %dma_start3A_431] : memref<1024x336x128xf32, #tpu.memory_space<hbm>> -> memref<1x336x128xf32, #tpu.memory_space<hbm>>
    %dma_start3A_433 = tpu.memref_squeeze %dma_start3A_432 : memref<1x336x128xf32, #tpu.memory_space<hbm>> -> memref<336x128xf32, #tpu.memory_space<hbm>>
    %dma_start3A_434 = arith.constant 0 : i32
    %dma_start3A_435 = arith.constant 0 : i32
    %dma_start3A_436 = tpu.memref_slice %arg4[%add3A_427, %dma_start3A_434, %dma_start3A_435] : memref<1024x336x128xf32, #tpu.memory_space<hbm>> -> memref<1x336x128xf32, #tpu.memory_space<hbm>>
    %dma_start3A_437 = tpu.memref_squeeze %dma_start3A_436 : memref<1x336x128xf32, #tpu.memory_space<hbm>> -> memref<336x128xf32, #tpu.memory_space<hbm>>
    %dma_start3A_438 = arith.constant 0 : i32
    %dma_start3A_439 = tpu.memref_slice %arg5[%squeeze3A_423, %dma_start3A_438] : memref<504x128xf32, #tpu.memory_space<vmem>> -> memref<336x128xf32, #tpu.memory_space<vmem>>
    tpu.enqueue_dma source(%dma_start3A_439 : memref<336x128xf32, #tpu.memory_space<vmem>>) target(%dma_start3A_437 : memref<336x128xf32, #tpu.memory_space<hbm>>) target_semaphore(%arg7 : memref<!tpu.dma_semaphore, #tpu.memory_space<semaphore_mem>>)
    %slice3A_440 = vector.extract_strided_slice %get3A_331 {offsets = [6], sizes = [1], strides = [1]} : vector<16xi32> to vector<1xi32>
    %squeeze3A_441 = vector.extract %slice3A_440[0] : i32 from vector<1xi32>
    %add3A_442 = arith.constant 16 : i32
    %add3A_443 = arith.addi %mul3A_2, %add3A_442 : i32
    %add3A_444 = arith.constant 6 : i32
    %add3A_445 = arith.addi %add3A_443, %add3A_444 : i32
    %dma_start3A_446 = arith.constant 0 : i32
    %dma_start3A_447 = tpu.memref_slice %arg5[%squeeze3A_441, %dma_start3A_446] : memref<504x128xf32, #tpu.memory_space<vmem>> -> memref<336x128xf32, #tpu.memory_space<vmem>>
    %dma_start3A_448 = arith.constant 0 : i32
    %dma_start3A_449 = arith.constant 0 : i32
    %dma_start3A_450 = tpu.memref_slice %arg4[%add3A_445, %dma_start3A_448, %dma_start3A_449] : memref<1024x336x128xf32, #tpu.memory_space<hbm>> -> memref<1x336x128xf32, #tpu.memory_space<hbm>>
    %dma_start3A_451 = tpu.memref_squeeze %dma_start3A_450 : memref<1x336x128xf32, #tpu.memory_space<hbm>> -> memref<336x128xf32, #tpu.memory_space<hbm>>
    %dma_start3A_452 = arith.constant 0 : i32
    %dma_start3A_453 = arith.constant 0 : i32
    %dma_start3A_454 = tpu.memref_slice %arg4[%add3A_445, %dma_start3A_452, %dma_start3A_453] : memref<1024x336x128xf32, #tpu.memory_space<hbm>> -> memref<1x336x128xf32, #tpu.memory_space<hbm>>
    %dma_start3A_455 = tpu.memref_squeeze %dma_start3A_454 : memref<1x336x128xf32, #tpu.memory_space<hbm>> -> memref<336x128xf32, #tpu.memory_space<hbm>>
    %dma_start3A_456 = arith.constant 0 : i32
    %dma_start3A_457 = tpu.memref_slice %arg5[%squeeze3A_441, %dma_start3A_456] : memref<504x128xf32, #tpu.memory_space<vmem>> -> memref<336x128xf32, #tpu.memory_space<vmem>>
    tpu.enqueue_dma source(%dma_start3A_457 : memref<336x128xf32, #tpu.memory_space<vmem>>) target(%dma_start3A_455 : memref<336x128xf32, #tpu.memory_space<hbm>>) target_semaphore(%arg7 : memref<!tpu.dma_semaphore, #tpu.memory_space<semaphore_mem>>)
    %slice3A_458 = vector.extract_strided_slice %get3A_331 {offsets = [7], sizes = [1], strides = [1]} : vector<16xi32> to vector<1xi32>
    %squeeze3A_459 = vector.extract %slice3A_458[0] : i32 from vector<1xi32>
    %add3A_460 = arith.constant 16 : i32
    %add3A_461 = arith.addi %mul3A_2, %add3A_460 : i32
    %add3A_462 = arith.constant 7 : i32
    %add3A_463 = arith.addi %add3A_461, %add3A_462 : i32
    %dma_start3A_464 = arith.constant 0 : i32
    %dma_start3A_465 = tpu.memref_slice %arg5[%squeeze3A_459, %dma_start3A_464] : memref<504x128xf32, #tpu.memory_space<vmem>> -> memref<336x128xf32, #tpu.memory_space<vmem>>
    %dma_start3A_466 = arith.constant 0 : i32
    %dma_start3A_467 = arith.constant 0 : i32
    %dma_start3A_468 = tpu.memref_slice %arg4[%add3A_463, %dma_start3A_466, %dma_start3A_467] : memref<1024x336x128xf32, #tpu.memory_space<hbm>> -> memref<1x336x128xf32, #tpu.memory_space<hbm>>
    %dma_start3A_469 = tpu.memref_squeeze %dma_start3A_468 : memref<1x336x128xf32, #tpu.memory_space<hbm>> -> memref<336x128xf32, #tpu.memory_space<hbm>>
    %dma_start3A_470 = arith.constant 0 : i32
    %dma_start3A_471 = arith.constant 0 : i32
    %dma_start3A_472 = tpu.memref_slice %arg4[%add3A_463, %dma_start3A_470, %dma_start3A_471] : memref<1024x336x128xf32, #tpu.memory_space<hbm>> -> memref<1x336x128xf32, #tpu.memory_space<hbm>>
    %dma_start3A_473 = tpu.memref_squeeze %dma_start3A_472 : memref<1x336x128xf32, #tpu.memory_space<hbm>> -> memref<336x128xf32, #tpu.memory_space<hbm>>
    %dma_start3A_474 = arith.constant 0 : i32
    %dma_start3A_475 = tpu.memref_slice %arg5[%squeeze3A_459, %dma_start3A_474] : memref<504x128xf32, #tpu.memory_space<vmem>> -> memref<336x128xf32, #tpu.memory_space<vmem>>
    tpu.enqueue_dma source(%dma_start3A_475 : memref<336x128xf32, #tpu.memory_space<vmem>>) target(%dma_start3A_473 : memref<336x128xf32, #tpu.memory_space<hbm>>) target_semaphore(%arg7 : memref<!tpu.dma_semaphore, #tpu.memory_space<semaphore_mem>>)
    %slice3A_476 = vector.extract_strided_slice %get3A_331 {offsets = [8], sizes = [1], strides = [1]} : vector<16xi32> to vector<1xi32>
    %squeeze3A_477 = vector.extract %slice3A_476[0] : i32 from vector<1xi32>
    %add3A_478 = arith.constant 16 : i32
    %add3A_479 = arith.addi %mul3A_2, %add3A_478 : i32
    %add3A_480 = arith.constant 8 : i32
    %add3A_481 = arith.addi %add3A_479, %add3A_480 : i32
    %dma_start3A_482 = arith.constant 0 : i32
    %dma_start3A_483 = tpu.memref_slice %arg5[%squeeze3A_477, %dma_start3A_482] : memref<504x128xf32, #tpu.memory_space<vmem>> -> memref<336x128xf32, #tpu.memory_space<vmem>>
    %dma_start3A_484 = arith.constant 0 : i32
    %dma_start3A_485 = arith.constant 0 : i32
    %dma_start3A_486 = tpu.memref_slice %arg4[%add3A_481, %dma_start3A_484, %dma_start3A_485] : memref<1024x336x128xf32, #tpu.memory_space<hbm>> -> memref<1x336x128xf32, #tpu.memory_space<hbm>>
    %dma_start3A_487 = tpu.memref_squeeze %dma_start3A_486 : memref<1x336x128xf32, #tpu.memory_space<hbm>> -> memref<336x128xf32, #tpu.memory_space<hbm>>
    %dma_start3A_488 = arith.constant 0 : i32
    %dma_start3A_489 = arith.constant 0 : i32
    %dma_start3A_490 = tpu.memref_slice %arg4[%add3A_481, %dma_start3A_488, %dma_start3A_489] : memref<1024x336x128xf32, #tpu.memory_space<hbm>> -> memref<1x336x128xf32, #tpu.memory_space<hbm>>
    %dma_start3A_491 = tpu.memref_squeeze %dma_start3A_490 : memref<1x336x128xf32, #tpu.memory_space<hbm>> -> memref<336x128xf32, #tpu.memory_space<hbm>>
    %dma_start3A_492 = arith.constant 0 : i32
    %dma_start3A_493 = tpu.memref_slice %arg5[%squeeze3A_477, %dma_start3A_492] : memref<504x128xf32, #tpu.memory_space<vmem>> -> memref<336x128xf32, #tpu.memory_space<vmem>>
    tpu.enqueue_dma source(%dma_start3A_493 : memref<336x128xf32, #tpu.memory_space<vmem>>) target(%dma_start3A_491 : memref<336x128xf32, #tpu.memory_space<hbm>>) target_semaphore(%arg7 : memref<!tpu.dma_semaphore, #tpu.memory_space<semaphore_mem>>)
    %slice3A_494 = vector.extract_strided_slice %get3A_331 {offsets = [9], sizes = [1], strides = [1]} : vector<16xi32> to vector<1xi32>
    %squeeze3A_495 = vector.extract %slice3A_494[0] : i32 from vector<1xi32>
    %add3A_496 = arith.constant 16 : i32
    %add3A_497 = arith.addi %mul3A_2, %add3A_496 : i32
    %add3A_498 = arith.constant 9 : i32
    %add3A_499 = arith.addi %add3A_497, %add3A_498 : i32
    %dma_start3A_500 = arith.constant 0 : i32
    %dma_start3A_501 = tpu.memref_slice %arg5[%squeeze3A_495, %dma_start3A_500] : memref<504x128xf32, #tpu.memory_space<vmem>> -> memref<336x128xf32, #tpu.memory_space<vmem>>
    %dma_start3A_502 = arith.constant 0 : i32
    %dma_start3A_503 = arith.constant 0 : i32
    %dma_start3A_504 = tpu.memref_slice %arg4[%add3A_499, %dma_start3A_502, %dma_start3A_503] : memref<1024x336x128xf32, #tpu.memory_space<hbm>> -> memref<1x336x128xf32, #tpu.memory_space<hbm>>
    %dma_start3A_505 = tpu.memref_squeeze %dma_start3A_504 : memref<1x336x128xf32, #tpu.memory_space<hbm>> -> memref<336x128xf32, #tpu.memory_space<hbm>>
    %dma_start3A_506 = arith.constant 0 : i32
    %dma_start3A_507 = arith.constant 0 : i32
    %dma_start3A_508 = tpu.memref_slice %arg4[%add3A_499, %dma_start3A_506, %dma_start3A_507] : memref<1024x336x128xf32, #tpu.memory_space<hbm>> -> memref<1x336x128xf32, #tpu.memory_space<hbm>>
    %dma_start3A_509 = tpu.memref_squeeze %dma_start3A_508 : memref<1x336x128xf32, #tpu.memory_space<hbm>> -> memref<336x128xf32, #tpu.memory_space<hbm>>
    %dma_start3A_510 = arith.constant 0 : i32
    %dma_start3A_511 = tpu.memref_slice %arg5[%squeeze3A_495, %dma_start3A_510] : memref<504x128xf32, #tpu.memory_space<vmem>> -> memref<336x128xf32, #tpu.memory_space<vmem>>
    tpu.enqueue_dma source(%dma_start3A_511 : memref<336x128xf32, #tpu.memory_space<vmem>>) target(%dma_start3A_509 : memref<336x128xf32, #tpu.memory_space<hbm>>) target_semaphore(%arg7 : memref<!tpu.dma_semaphore, #tpu.memory_space<semaphore_mem>>)
    %slice3A_512 = vector.extract_strided_slice %get3A_331 {offsets = [10], sizes = [1], strides = [1]} : vector<16xi32> to vector<1xi32>
    %squeeze3A_513 = vector.extract %slice3A_512[0] : i32 from vector<1xi32>
    %add3A_514 = arith.constant 16 : i32
    %add3A_515 = arith.addi %mul3A_2, %add3A_514 : i32
    %add3A_516 = arith.constant 10 : i32
    %add3A_517 = arith.addi %add3A_515, %add3A_516 : i32
    %dma_start3A_518 = arith.constant 0 : i32
    %dma_start3A_519 = tpu.memref_slice %arg5[%squeeze3A_513, %dma_start3A_518] : memref<504x128xf32, #tpu.memory_space<vmem>> -> memref<336x128xf32, #tpu.memory_space<vmem>>
    %dma_start3A_520 = arith.constant 0 : i32
    %dma_start3A_521 = arith.constant 0 : i32
    %dma_start3A_522 = tpu.memref_slice %arg4[%add3A_517, %dma_start3A_520, %dma_start3A_521] : memref<1024x336x128xf32, #tpu.memory_space<hbm>> -> memref<1x336x128xf32, #tpu.memory_space<hbm>>
    %dma_start3A_523 = tpu.memref_squeeze %dma_start3A_522 : memref<1x336x128xf32, #tpu.memory_space<hbm>> -> memref<336x128xf32, #tpu.memory_space<hbm>>
    %dma_start3A_524 = arith.constant 0 : i32
    %dma_start3A_525 = arith.constant 0 : i32
    %dma_start3A_526 = tpu.memref_slice %arg4[%add3A_517, %dma_start3A_524, %dma_start3A_525] : memref<1024x336x128xf32, #tpu.memory_space<hbm>> -> memref<1x336x128xf32, #tpu.memory_space<hbm>>
    %dma_start3A_527 = tpu.memref_squeeze %dma_start3A_526 : memref<1x336x128xf32, #tpu.memory_space<hbm>> -> memref<336x128xf32, #tpu.memory_space<hbm>>
    %dma_start3A_528 = arith.constant 0 : i32
    %dma_start3A_529 = tpu.memref_slice %arg5[%squeeze3A_513, %dma_start3A_528] : memref<504x128xf32, #tpu.memory_space<vmem>> -> memref<336x128xf32, #tpu.memory_space<vmem>>
    tpu.enqueue_dma source(%dma_start3A_529 : memref<336x128xf32, #tpu.memory_space<vmem>>) target(%dma_start3A_527 : memref<336x128xf32, #tpu.memory_space<hbm>>) target_semaphore(%arg7 : memref<!tpu.dma_semaphore, #tpu.memory_space<semaphore_mem>>)
    %slice3A_530 = vector.extract_strided_slice %get3A_331 {offsets = [11], sizes = [1], strides = [1]} : vector<16xi32> to vector<1xi32>
    %squeeze3A_531 = vector.extract %slice3A_530[0] : i32 from vector<1xi32>
    %add3A_532 = arith.constant 16 : i32
    %add3A_533 = arith.addi %mul3A_2, %add3A_532 : i32
    %add3A_534 = arith.constant 11 : i32
    %add3A_535 = arith.addi %add3A_533, %add3A_534 : i32
    %dma_start3A_536 = arith.constant 0 : i32
    %dma_start3A_537 = tpu.memref_slice %arg5[%squeeze3A_531, %dma_start3A_536] : memref<504x128xf32, #tpu.memory_space<vmem>> -> memref<336x128xf32, #tpu.memory_space<vmem>>
    %dma_start3A_538 = arith.constant 0 : i32
    %dma_start3A_539 = arith.constant 0 : i32
    %dma_start3A_540 = tpu.memref_slice %arg4[%add3A_535, %dma_start3A_538, %dma_start3A_539] : memref<1024x336x128xf32, #tpu.memory_space<hbm>> -> memref<1x336x128xf32, #tpu.memory_space<hbm>>
    %dma_start3A_541 = tpu.memref_squeeze %dma_start3A_540 : memref<1x336x128xf32, #tpu.memory_space<hbm>> -> memref<336x128xf32, #tpu.memory_space<hbm>>
    %dma_start3A_542 = arith.constant 0 : i32
    %dma_start3A_543 = arith.constant 0 : i32
    %dma_start3A_544 = tpu.memref_slice %arg4[%add3A_535, %dma_start3A_542, %dma_start3A_543] : memref<1024x336x128xf32, #tpu.memory_space<hbm>> -> memref<1x336x128xf32, #tpu.memory_space<hbm>>
    %dma_start3A_545 = tpu.memref_squeeze %dma_start3A_544 : memref<1x336x128xf32, #tpu.memory_space<hbm>> -> memref<336x128xf32, #tpu.memory_space<hbm>>
    %dma_start3A_546 = arith.constant 0 : i32
    %dma_start3A_547 = tpu.memref_slice %arg5[%squeeze3A_531, %dma_start3A_546] : memref<504x128xf32, #tpu.memory_space<vmem>> -> memref<336x128xf32, #tpu.memory_space<vmem>>
    tpu.enqueue_dma source(%dma_start3A_547 : memref<336x128xf32, #tpu.memory_space<vmem>>) target(%dma_start3A_545 : memref<336x128xf32, #tpu.memory_space<hbm>>) target_semaphore(%arg7 : memref<!tpu.dma_semaphore, #tpu.memory_space<semaphore_mem>>)
    %slice3A_548 = vector.extract_strided_slice %get3A_331 {offsets = [12], sizes = [1], strides = [1]} : vector<16xi32> to vector<1xi32>
    %squeeze3A_549 = vector.extract %slice3A_548[0] : i32 from vector<1xi32>
    %add3A_550 = arith.constant 16 : i32
    %add3A_551 = arith.addi %mul3A_2, %add3A_550 : i32
    %add3A_552 = arith.constant 12 : i32
    %add3A_553 = arith.addi %add3A_551, %add3A_552 : i32
    %dma_start3A_554 = arith.constant 0 : i32
    %dma_start3A_555 = tpu.memref_slice %arg5[%squeeze3A_549, %dma_start3A_554] : memref<504x128xf32, #tpu.memory_space<vmem>> -> memref<336x128xf32, #tpu.memory_space<vmem>>
    %dma_start3A_556 = arith.constant 0 : i32
    %dma_start3A_557 = arith.constant 0 : i32
    %dma_start3A_558 = tpu.memref_slice %arg4[%add3A_553, %dma_start3A_556, %dma_start3A_557] : memref<1024x336x128xf32, #tpu.memory_space<hbm>> -> memref<1x336x128xf32, #tpu.memory_space<hbm>>
    %dma_start3A_559 = tpu.memref_squeeze %dma_start3A_558 : memref<1x336x128xf32, #tpu.memory_space<hbm>> -> memref<336x128xf32, #tpu.memory_space<hbm>>
    %dma_start3A_560 = arith.constant 0 : i32
    %dma_start3A_561 = arith.constant 0 : i32
    %dma_start3A_562 = tpu.memref_slice %arg4[%add3A_553, %dma_start3A_560, %dma_start3A_561] : memref<1024x336x128xf32, #tpu.memory_space<hbm>> -> memref<1x336x128xf32, #tpu.memory_space<hbm>>
    %dma_start3A_563 = tpu.memref_squeeze %dma_start3A_562 : memref<1x336x128xf32, #tpu.memory_space<hbm>> -> memref<336x128xf32, #tpu.memory_space<hbm>>
    %dma_start3A_564 = arith.constant 0 : i32
    %dma_start3A_565 = tpu.memref_slice %arg5[%squeeze3A_549, %dma_start3A_564] : memref<504x128xf32, #tpu.memory_space<vmem>> -> memref<336x128xf32, #tpu.memory_space<vmem>>
    tpu.enqueue_dma source(%dma_start3A_565 : memref<336x128xf32, #tpu.memory_space<vmem>>) target(%dma_start3A_563 : memref<336x128xf32, #tpu.memory_space<hbm>>) target_semaphore(%arg7 : memref<!tpu.dma_semaphore, #tpu.memory_space<semaphore_mem>>)
    %slice3A_566 = vector.extract_strided_slice %get3A_331 {offsets = [13], sizes = [1], strides = [1]} : vector<16xi32> to vector<1xi32>
    %squeeze3A_567 = vector.extract %slice3A_566[0] : i32 from vector<1xi32>
    %add3A_568 = arith.constant 16 : i32
    %add3A_569 = arith.addi %mul3A_2, %add3A_568 : i32
    %add3A_570 = arith.constant 13 : i32
    %add3A_571 = arith.addi %add3A_569, %add3A_570 : i32
    %dma_start3A_572 = arith.constant 0 : i32
    %dma_start3A_573 = tpu.memref_slice %arg5[%squeeze3A_567, %dma_start3A_572] : memref<504x128xf32, #tpu.memory_space<vmem>> -> memref<336x128xf32, #tpu.memory_space<vmem>>
    %dma_start3A_574 = arith.constant 0 : i32
    %dma_start3A_575 = arith.constant 0 : i32
    %dma_start3A_576 = tpu.memref_slice %arg4[%add3A_571, %dma_start3A_574, %dma_start3A_575] : memref<1024x336x128xf32, #tpu.memory_space<hbm>> -> memref<1x336x128xf32, #tpu.memory_space<hbm>>
    %dma_start3A_577 = tpu.memref_squeeze %dma_start3A_576 : memref<1x336x128xf32, #tpu.memory_space<hbm>> -> memref<336x128xf32, #tpu.memory_space<hbm>>
    %dma_start3A_578 = arith.constant 0 : i32
    %dma_start3A_579 = arith.constant 0 : i32
    %dma_start3A_580 = tpu.memref_slice %arg4[%add3A_571, %dma_start3A_578, %dma_start3A_579] : memref<1024x336x128xf32, #tpu.memory_space<hbm>> -> memref<1x336x128xf32, #tpu.memory_space<hbm>>
    %dma_start3A_581 = tpu.memref_squeeze %dma_start3A_580 : memref<1x336x128xf32, #tpu.memory_space<hbm>> -> memref<336x128xf32, #tpu.memory_space<hbm>>
    %dma_start3A_582 = arith.constant 0 : i32
    %dma_start3A_583 = tpu.memref_slice %arg5[%squeeze3A_567, %dma_start3A_582] : memref<504x128xf32, #tpu.memory_space<vmem>> -> memref<336x128xf32, #tpu.memory_space<vmem>>
    tpu.enqueue_dma source(%dma_start3A_583 : memref<336x128xf32, #tpu.memory_space<vmem>>) target(%dma_start3A_581 : memref<336x128xf32, #tpu.memory_space<hbm>>) target_semaphore(%arg7 : memref<!tpu.dma_semaphore, #tpu.memory_space<semaphore_mem>>)
    %slice3A_584 = vector.extract_strided_slice %get3A_331 {offsets = [14], sizes = [1], strides = [1]} : vector<16xi32> to vector<1xi32>
    %squeeze3A_585 = vector.extract %slice3A_584[0] : i32 from vector<1xi32>
    %add3A_586 = arith.constant 16 : i32
    %add3A_587 = arith.addi %mul3A_2, %add3A_586 : i32
    %add3A_588 = arith.constant 14 : i32
    %add3A_589 = arith.addi %add3A_587, %add3A_588 : i32
    %dma_start3A_590 = arith.constant 0 : i32
    %dma_start3A_591 = tpu.memref_slice %arg5[%squeeze3A_585, %dma_start3A_590] : memref<504x128xf32, #tpu.memory_space<vmem>> -> memref<336x128xf32, #tpu.memory_space<vmem>>
    %dma_start3A_592 = arith.constant 0 : i32
    %dma_start3A_593 = arith.constant 0 : i32
    %dma_start3A_594 = tpu.memref_slice %arg4[%add3A_589, %dma_start3A_592, %dma_start3A_593] : memref<1024x336x128xf32, #tpu.memory_space<hbm>> -> memref<1x336x128xf32, #tpu.memory_space<hbm>>
    %dma_start3A_595 = tpu.memref_squeeze %dma_start3A_594 : memref<1x336x128xf32, #tpu.memory_space<hbm>> -> memref<336x128xf32, #tpu.memory_space<hbm>>
    %dma_start3A_596 = arith.constant 0 : i32
    %dma_start3A_597 = arith.constant 0 : i32
    %dma_start3A_598 = tpu.memref_slice %arg4[%add3A_589, %dma_start3A_596, %dma_start3A_597] : memref<1024x336x128xf32, #tpu.memory_space<hbm>> -> memref<1x336x128xf32, #tpu.memory_space<hbm>>
    %dma_start3A_599 = tpu.memref_squeeze %dma_start3A_598 : memref<1x336x128xf32, #tpu.memory_space<hbm>> -> memref<336x128xf32, #tpu.memory_space<hbm>>
    %dma_start3A_600 = arith.constant 0 : i32
    %dma_start3A_601 = tpu.memref_slice %arg5[%squeeze3A_585, %dma_start3A_600] : memref<504x128xf32, #tpu.memory_space<vmem>> -> memref<336x128xf32, #tpu.memory_space<vmem>>
    tpu.enqueue_dma source(%dma_start3A_601 : memref<336x128xf32, #tpu.memory_space<vmem>>) target(%dma_start3A_599 : memref<336x128xf32, #tpu.memory_space<hbm>>) target_semaphore(%arg7 : memref<!tpu.dma_semaphore, #tpu.memory_space<semaphore_mem>>)
    %slice3A_602 = vector.extract_strided_slice %get3A_331 {offsets = [15], sizes = [1], strides = [1]} : vector<16xi32> to vector<1xi32>
    %squeeze3A_603 = vector.extract %slice3A_602[0] : i32 from vector<1xi32>
    %add3A_604 = arith.constant 16 : i32
    %add3A_605 = arith.addi %mul3A_2, %add3A_604 : i32
    %add3A_606 = arith.constant 15 : i32
    %add3A_607 = arith.addi %add3A_605, %add3A_606 : i32
    %dma_start3A_608 = arith.constant 0 : i32
    %dma_start3A_609 = tpu.memref_slice %arg5[%squeeze3A_603, %dma_start3A_608] : memref<504x128xf32, #tpu.memory_space<vmem>> -> memref<336x128xf32, #tpu.memory_space<vmem>>
    %dma_start3A_610 = arith.constant 0 : i32
    %dma_start3A_611 = arith.constant 0 : i32
    %dma_start3A_612 = tpu.memref_slice %arg4[%add3A_607, %dma_start3A_610, %dma_start3A_611] : memref<1024x336x128xf32, #tpu.memory_space<hbm>> -> memref<1x336x128xf32, #tpu.memory_space<hbm>>
    %dma_start3A_613 = tpu.memref_squeeze %dma_start3A_612 : memref<1x336x128xf32, #tpu.memory_space<hbm>> -> memref<336x128xf32, #tpu.memory_space<hbm>>
    %dma_start3A_614 = arith.constant 0 : i32
    %dma_start3A_615 = arith.constant 0 : i32
    %dma_start3A_616 = tpu.memref_slice %arg4[%add3A_607, %dma_start3A_614, %dma_start3A_615] : memref<1024x336x128xf32, #tpu.memory_space<hbm>> -> memref<1x336x128xf32, #tpu.memory_space<hbm>>
    %dma_start3A_617 = tpu.memref_squeeze %dma_start3A_616 : memref<1x336x128xf32, #tpu.memory_space<hbm>> -> memref<336x128xf32, #tpu.memory_space<hbm>>
    %dma_start3A_618 = arith.constant 0 : i32
    %dma_start3A_619 = tpu.memref_slice %arg5[%squeeze3A_603, %dma_start3A_618] : memref<504x128xf32, #tpu.memory_space<vmem>> -> memref<336x128xf32, #tpu.memory_space<vmem>>
    tpu.enqueue_dma source(%dma_start3A_619 : memref<336x128xf32, #tpu.memory_space<vmem>>) target(%dma_start3A_617 : memref<336x128xf32, #tpu.memory_space<hbm>>) target_semaphore(%arg7 : memref<!tpu.dma_semaphore, #tpu.memory_space<semaphore_mem>>)
    %dma_wait3A_620 = arith.constant 0 : i32
    %dma_wait3A_621 = tpu.memref_slice %arg5[%squeeze3A, %dma_wait3A_620] : memref<504x128xf32, #tpu.memory_space<vmem>> -> memref<336x128xf32, #tpu.memory_space<vmem>>
    %dma_wait3A_622 = arith.constant 0 : i32
    %dma_wait3A_623 = arith.constant 0 : i32
    %dma_wait3A_624 = tpu.memref_slice %arg4[%add3A_46, %dma_wait3A_622, %dma_wait3A_623] : memref<1024x336x128xf32, #tpu.memory_space<hbm>> -> memref<1x336x128xf32, #tpu.memory_space<hbm>>
    %dma_wait3A_625 = tpu.memref_squeeze %dma_wait3A_624 : memref<1x336x128xf32, #tpu.memory_space<hbm>> -> memref<336x128xf32, #tpu.memory_space<hbm>>
    %dma_wait3A_626 = arith.constant 0 : i32
    %dma_wait3A_627 = arith.constant 0 : i32
    %dma_wait3A_628 = tpu.memref_slice %arg4[%add3A_46, %dma_wait3A_626, %dma_wait3A_627] : memref<1024x336x128xf32, #tpu.memory_space<hbm>> -> memref<1x336x128xf32, #tpu.memory_space<hbm>>
    %dma_wait3A_629 = tpu.memref_squeeze %dma_wait3A_628 : memref<1x336x128xf32, #tpu.memory_space<hbm>> -> memref<336x128xf32, #tpu.memory_space<hbm>>
    %dma_wait3A_630 = arith.constant 0 : i32
    %dma_wait3A_631 = tpu.memref_slice %arg5[%squeeze3A, %dma_wait3A_630] : memref<504x128xf32, #tpu.memory_space<vmem>> -> memref<336x128xf32, #tpu.memory_space<vmem>>
    tpu.wait_dma2 semaphore(%arg7 : memref<!tpu.dma_semaphore, #tpu.memory_space<semaphore_mem>>) src(%dma_wait3A_631 : memref<336x128xf32, #tpu.memory_space<vmem>>) dst(%dma_wait3A_629 : memref<336x128xf32, #tpu.memory_space<hbm>>)
    %dma_wait3A_632 = arith.constant 0 : i32
    %dma_wait3A_633 = tpu.memref_slice %arg5[%squeeze3A_60, %dma_wait3A_632] : memref<504x128xf32, #tpu.memory_space<vmem>> -> memref<336x128xf32, #tpu.memory_space<vmem>>
    %dma_wait3A_634 = arith.constant 0 : i32
    %dma_wait3A_635 = arith.constant 0 : i32
    %dma_wait3A_636 = tpu.memref_slice %arg4[%add3A_64, %dma_wait3A_634, %dma_wait3A_635] : memref<1024x336x128xf32, #tpu.memory_space<hbm>> -> memref<1x336x128xf32, #tpu.memory_space<hbm>>
    %dma_wait3A_637 = tpu.memref_squeeze %dma_wait3A_636 : memref<1x336x128xf32, #tpu.memory_space<hbm>> -> memref<336x128xf32, #tpu.memory_space<hbm>>
    %dma_wait3A_638 = arith.constant 0 : i32
    %dma_wait3A_639 = arith.constant 0 : i32
    %dma_wait3A_640 = tpu.memref_slice %arg4[%add3A_64, %dma_wait3A_638, %dma_wait3A_639] : memref<1024x336x128xf32, #tpu.memory_space<hbm>> -> memref<1x336x128xf32, #tpu.memory_space<hbm>>
    %dma_wait3A_641 = tpu.memref_squeeze %dma_wait3A_640 : memref<1x336x128xf32, #tpu.memory_space<hbm>> -> memref<336x128xf32, #tpu.memory_space<hbm>>
    %dma_wait3A_642 = arith.constant 0 : i32
    %dma_wait3A_643 = tpu.memref_slice %arg5[%squeeze3A_60, %dma_wait3A_642] : memref<504x128xf32, #tpu.memory_space<vmem>> -> memref<336x128xf32, #tpu.memory_space<vmem>>
    tpu.wait_dma2 semaphore(%arg7 : memref<!tpu.dma_semaphore, #tpu.memory_space<semaphore_mem>>) src(%dma_wait3A_643 : memref<336x128xf32, #tpu.memory_space<vmem>>) dst(%dma_wait3A_641 : memref<336x128xf32, #tpu.memory_space<hbm>>)
    %dma_wait3A_644 = arith.constant 0 : i32
    %dma_wait3A_645 = tpu.memref_slice %arg5[%squeeze3A_78, %dma_wait3A_644] : memref<504x128xf32, #tpu.memory_space<vmem>> -> memref<336x128xf32, #tpu.memory_space<vmem>>
    %dma_wait3A_646 = arith.constant 0 : i32
    %dma_wait3A_647 = arith.constant 0 : i32
    %dma_wait3A_648 = tpu.memref_slice %arg4[%add3A_82, %dma_wait3A_646, %dma_wait3A_647] : memref<1024x336x128xf32, #tpu.memory_space<hbm>> -> memref<1x336x128xf32, #tpu.memory_space<hbm>>
    %dma_wait3A_649 = tpu.memref_squeeze %dma_wait3A_648 : memref<1x336x128xf32, #tpu.memory_space<hbm>> -> memref<336x128xf32, #tpu.memory_space<hbm>>
    %dma_wait3A_650 = arith.constant 0 : i32
    %dma_wait3A_651 = arith.constant 0 : i32
    %dma_wait3A_652 = tpu.memref_slice %arg4[%add3A_82, %dma_wait3A_650, %dma_wait3A_651] : memref<1024x336x128xf32, #tpu.memory_space<hbm>> -> memref<1x336x128xf32, #tpu.memory_space<hbm>>
    %dma_wait3A_653 = tpu.memref_squeeze %dma_wait3A_652 : memref<1x336x128xf32, #tpu.memory_space<hbm>> -> memref<336x128xf32, #tpu.memory_space<hbm>>
    %dma_wait3A_654 = arith.constant 0 : i32
    %dma_wait3A_655 = tpu.memref_slice %arg5[%squeeze3A_78, %dma_wait3A_654] : memref<504x128xf32, #tpu.memory_space<vmem>> -> memref<336x128xf32, #tpu.memory_space<vmem>>
    tpu.wait_dma2 semaphore(%arg7 : memref<!tpu.dma_semaphore, #tpu.memory_space<semaphore_mem>>) src(%dma_wait3A_655 : memref<336x128xf32, #tpu.memory_space<vmem>>) dst(%dma_wait3A_653 : memref<336x128xf32, #tpu.memory_space<hbm>>)
    %dma_wait3A_656 = arith.constant 0 : i32
    %dma_wait3A_657 = tpu.memref_slice %arg5[%squeeze3A_96, %dma_wait3A_656] : memref<504x128xf32, #tpu.memory_space<vmem>> -> memref<336x128xf32, #tpu.memory_space<vmem>>
    %dma_wait3A_658 = arith.constant 0 : i32
    %dma_wait3A_659 = arith.constant 0 : i32
    %dma_wait3A_660 = tpu.memref_slice %arg4[%add3A_100, %dma_wait3A_658, %dma_wait3A_659] : memref<1024x336x128xf32, #tpu.memory_space<hbm>> -> memref<1x336x128xf32, #tpu.memory_space<hbm>>
    %dma_wait3A_661 = tpu.memref_squeeze %dma_wait3A_660 : memref<1x336x128xf32, #tpu.memory_space<hbm>> -> memref<336x128xf32, #tpu.memory_space<hbm>>
    %dma_wait3A_662 = arith.constant 0 : i32
    %dma_wait3A_663 = arith.constant 0 : i32
    %dma_wait3A_664 = tpu.memref_slice %arg4[%add3A_100, %dma_wait3A_662, %dma_wait3A_663] : memref<1024x336x128xf32, #tpu.memory_space<hbm>> -> memref<1x336x128xf32, #tpu.memory_space<hbm>>
    %dma_wait3A_665 = tpu.memref_squeeze %dma_wait3A_664 : memref<1x336x128xf32, #tpu.memory_space<hbm>> -> memref<336x128xf32, #tpu.memory_space<hbm>>
    %dma_wait3A_666 = arith.constant 0 : i32
    %dma_wait3A_667 = tpu.memref_slice %arg5[%squeeze3A_96, %dma_wait3A_666] : memref<504x128xf32, #tpu.memory_space<vmem>> -> memref<336x128xf32, #tpu.memory_space<vmem>>
    tpu.wait_dma2 semaphore(%arg7 : memref<!tpu.dma_semaphore, #tpu.memory_space<semaphore_mem>>) src(%dma_wait3A_667 : memref<336x128xf32, #tpu.memory_space<vmem>>) dst(%dma_wait3A_665 : memref<336x128xf32, #tpu.memory_space<hbm>>)
    %dma_wait3A_668 = arith.constant 0 : i32
    %dma_wait3A_669 = tpu.memref_slice %arg5[%squeeze3A_114, %dma_wait3A_668] : memref<504x128xf32, #tpu.memory_space<vmem>> -> memref<336x128xf32, #tpu.memory_space<vmem>>
    %dma_wait3A_670 = arith.constant 0 : i32
    %dma_wait3A_671 = arith.constant 0 : i32
    %dma_wait3A_672 = tpu.memref_slice %arg4[%add3A_118, %dma_wait3A_670, %dma_wait3A_671] : memref<1024x336x128xf32, #tpu.memory_space<hbm>> -> memref<1x336x128xf32, #tpu.memory_space<hbm>>
    %dma_wait3A_673 = tpu.memref_squeeze %dma_wait3A_672 : memref<1x336x128xf32, #tpu.memory_space<hbm>> -> memref<336x128xf32, #tpu.memory_space<hbm>>
    %dma_wait3A_674 = arith.constant 0 : i32
    %dma_wait3A_675 = arith.constant 0 : i32
    %dma_wait3A_676 = tpu.memref_slice %arg4[%add3A_118, %dma_wait3A_674, %dma_wait3A_675] : memref<1024x336x128xf32, #tpu.memory_space<hbm>> -> memref<1x336x128xf32, #tpu.memory_space<hbm>>
    %dma_wait3A_677 = tpu.memref_squeeze %dma_wait3A_676 : memref<1x336x128xf32, #tpu.memory_space<hbm>> -> memref<336x128xf32, #tpu.memory_space<hbm>>
    %dma_wait3A_678 = arith.constant 0 : i32
    %dma_wait3A_679 = tpu.memref_slice %arg5[%squeeze3A_114, %dma_wait3A_678] : memref<504x128xf32, #tpu.memory_space<vmem>> -> memref<336x128xf32, #tpu.memory_space<vmem>>
    tpu.wait_dma2 semaphore(%arg7 : memref<!tpu.dma_semaphore, #tpu.memory_space<semaphore_mem>>) src(%dma_wait3A_679 : memref<336x128xf32, #tpu.memory_space<vmem>>) dst(%dma_wait3A_677 : memref<336x128xf32, #tpu.memory_space<hbm>>)
    %dma_wait3A_680 = arith.constant 0 : i32
    %dma_wait3A_681 = tpu.memref_slice %arg5[%squeeze3A_132, %dma_wait3A_680] : memref<504x128xf32, #tpu.memory_space<vmem>> -> memref<336x128xf32, #tpu.memory_space<vmem>>
    %dma_wait3A_682 = arith.constant 0 : i32
    %dma_wait3A_683 = arith.constant 0 : i32
    %dma_wait3A_684 = tpu.memref_slice %arg4[%add3A_136, %dma_wait3A_682, %dma_wait3A_683] : memref<1024x336x128xf32, #tpu.memory_space<hbm>> -> memref<1x336x128xf32, #tpu.memory_space<hbm>>
    %dma_wait3A_685 = tpu.memref_squeeze %dma_wait3A_684 : memref<1x336x128xf32, #tpu.memory_space<hbm>> -> memref<336x128xf32, #tpu.memory_space<hbm>>
    %dma_wait3A_686 = arith.constant 0 : i32
    %dma_wait3A_687 = arith.constant 0 : i32
    %dma_wait3A_688 = tpu.memref_slice %arg4[%add3A_136, %dma_wait3A_686, %dma_wait3A_687] : memref<1024x336x128xf32, #tpu.memory_space<hbm>> -> memref<1x336x128xf32, #tpu.memory_space<hbm>>
    %dma_wait3A_689 = tpu.memref_squeeze %dma_wait3A_688 : memref<1x336x128xf32, #tpu.memory_space<hbm>> -> memref<336x128xf32, #tpu.memory_space<hbm>>
    %dma_wait3A_690 = arith.constant 0 : i32
    %dma_wait3A_691 = tpu.memref_slice %arg5[%squeeze3A_132, %dma_wait3A_690] : memref<504x128xf32, #tpu.memory_space<vmem>> -> memref<336x128xf32, #tpu.memory_space<vmem>>
    tpu.wait_dma2 semaphore(%arg7 : memref<!tpu.dma_semaphore, #tpu.memory_space<semaphore_mem>>) src(%dma_wait3A_691 : memref<336x128xf32, #tpu.memory_space<vmem>>) dst(%dma_wait3A_689 : memref<336x128xf32, #tpu.memory_space<hbm>>)
    %dma_wait3A_692 = arith.constant 0 : i32
    %dma_wait3A_693 = tpu.memref_slice %arg5[%squeeze3A_150, %dma_wait3A_692] : memref<504x128xf32, #tpu.memory_space<vmem>> -> memref<336x128xf32, #tpu.memory_space<vmem>>
    %dma_wait3A_694 = arith.constant 0 : i32
    %dma_wait3A_695 = arith.constant 0 : i32
    %dma_wait3A_696 = tpu.memref_slice %arg4[%add3A_154, %dma_wait3A_694, %dma_wait3A_695] : memref<1024x336x128xf32, #tpu.memory_space<hbm>> -> memref<1x336x128xf32, #tpu.memory_space<hbm>>
    %dma_wait3A_697 = tpu.memref_squeeze %dma_wait3A_696 : memref<1x336x128xf32, #tpu.memory_space<hbm>> -> memref<336x128xf32, #tpu.memory_space<hbm>>
    %dma_wait3A_698 = arith.constant 0 : i32
    %dma_wait3A_699 = arith.constant 0 : i32
    %dma_wait3A_700 = tpu.memref_slice %arg4[%add3A_154, %dma_wait3A_698, %dma_wait3A_699] : memref<1024x336x128xf32, #tpu.memory_space<hbm>> -> memref<1x336x128xf32, #tpu.memory_space<hbm>>
    %dma_wait3A_701 = tpu.memref_squeeze %dma_wait3A_700 : memref<1x336x128xf32, #tpu.memory_space<hbm>> -> memref<336x128xf32, #tpu.memory_space<hbm>>
    %dma_wait3A_702 = arith.constant 0 : i32
    %dma_wait3A_703 = tpu.memref_slice %arg5[%squeeze3A_150, %dma_wait3A_702] : memref<504x128xf32, #tpu.memory_space<vmem>> -> memref<336x128xf32, #tpu.memory_space<vmem>>
    tpu.wait_dma2 semaphore(%arg7 : memref<!tpu.dma_semaphore, #tpu.memory_space<semaphore_mem>>) src(%dma_wait3A_703 : memref<336x128xf32, #tpu.memory_space<vmem>>) dst(%dma_wait3A_701 : memref<336x128xf32, #tpu.memory_space<hbm>>)
    %dma_wait3A_704 = arith.constant 0 : i32
    %dma_wait3A_705 = tpu.memref_slice %arg5[%squeeze3A_168, %dma_wait3A_704] : memref<504x128xf32, #tpu.memory_space<vmem>> -> memref<336x128xf32, #tpu.memory_space<vmem>>
    %dma_wait3A_706 = arith.constant 0 : i32
    %dma_wait3A_707 = arith.constant 0 : i32
    %dma_wait3A_708 = tpu.memref_slice %arg4[%add3A_172, %dma_wait3A_706, %dma_wait3A_707] : memref<1024x336x128xf32, #tpu.memory_space<hbm>> -> memref<1x336x128xf32, #tpu.memory_space<hbm>>
    %dma_wait3A_709 = tpu.memref_squeeze %dma_wait3A_708 : memref<1x336x128xf32, #tpu.memory_space<hbm>> -> memref<336x128xf32, #tpu.memory_space<hbm>>
    %dma_wait3A_710 = arith.constant 0 : i32
    %dma_wait3A_711 = arith.constant 0 : i32
    %dma_wait3A_712 = tpu.memref_slice %arg4[%add3A_172, %dma_wait3A_710, %dma_wait3A_711] : memref<1024x336x128xf32, #tpu.memory_space<hbm>> -> memref<1x336x128xf32, #tpu.memory_space<hbm>>
    %dma_wait3A_713 = tpu.memref_squeeze %dma_wait3A_712 : memref<1x336x128xf32, #tpu.memory_space<hbm>> -> memref<336x128xf32, #tpu.memory_space<hbm>>
    %dma_wait3A_714 = arith.constant 0 : i32
    %dma_wait3A_715 = tpu.memref_slice %arg5[%squeeze3A_168, %dma_wait3A_714] : memref<504x128xf32, #tpu.memory_space<vmem>> -> memref<336x128xf32, #tpu.memory_space<vmem>>
    tpu.wait_dma2 semaphore(%arg7 : memref<!tpu.dma_semaphore, #tpu.memory_space<semaphore_mem>>) src(%dma_wait3A_715 : memref<336x128xf32, #tpu.memory_space<vmem>>) dst(%dma_wait3A_713 : memref<336x128xf32, #tpu.memory_space<hbm>>)
    %dma_wait3A_716 = arith.constant 0 : i32
    %dma_wait3A_717 = tpu.memref_slice %arg5[%squeeze3A_186, %dma_wait3A_716] : memref<504x128xf32, #tpu.memory_space<vmem>> -> memref<336x128xf32, #tpu.memory_space<vmem>>
    %dma_wait3A_718 = arith.constant 0 : i32
    %dma_wait3A_719 = arith.constant 0 : i32
    %dma_wait3A_720 = tpu.memref_slice %arg4[%add3A_190, %dma_wait3A_718, %dma_wait3A_719] : memref<1024x336x128xf32, #tpu.memory_space<hbm>> -> memref<1x336x128xf32, #tpu.memory_space<hbm>>
    %dma_wait3A_721 = tpu.memref_squeeze %dma_wait3A_720 : memref<1x336x128xf32, #tpu.memory_space<hbm>> -> memref<336x128xf32, #tpu.memory_space<hbm>>
    %dma_wait3A_722 = arith.constant 0 : i32
    %dma_wait3A_723 = arith.constant 0 : i32
    %dma_wait3A_724 = tpu.memref_slice %arg4[%add3A_190, %dma_wait3A_722, %dma_wait3A_723] : memref<1024x336x128xf32, #tpu.memory_space<hbm>> -> memref<1x336x128xf32, #tpu.memory_space<hbm>>
    %dma_wait3A_725 = tpu.memref_squeeze %dma_wait3A_724 : memref<1x336x128xf32, #tpu.memory_space<hbm>> -> memref<336x128xf32, #tpu.memory_space<hbm>>
    %dma_wait3A_726 = arith.constant 0 : i32
    %dma_wait3A_727 = tpu.memref_slice %arg5[%squeeze3A_186, %dma_wait3A_726] : memref<504x128xf32, #tpu.memory_space<vmem>> -> memref<336x128xf32, #tpu.memory_space<vmem>>
    tpu.wait_dma2 semaphore(%arg7 : memref<!tpu.dma_semaphore, #tpu.memory_space<semaphore_mem>>) src(%dma_wait3A_727 : memref<336x128xf32, #tpu.memory_space<vmem>>) dst(%dma_wait3A_725 : memref<336x128xf32, #tpu.memory_space<hbm>>)
    %dma_wait3A_728 = arith.constant 0 : i32
    %dma_wait3A_729 = tpu.memref_slice %arg5[%squeeze3A_204, %dma_wait3A_728] : memref<504x128xf32, #tpu.memory_space<vmem>> -> memref<336x128xf32, #tpu.memory_space<vmem>>
    %dma_wait3A_730 = arith.constant 0 : i32
    %dma_wait3A_731 = arith.constant 0 : i32
    %dma_wait3A_732 = tpu.memref_slice %arg4[%add3A_208, %dma_wait3A_730, %dma_wait3A_731] : memref<1024x336x128xf32, #tpu.memory_space<hbm>> -> memref<1x336x128xf32, #tpu.memory_space<hbm>>
    %dma_wait3A_733 = tpu.memref_squeeze %dma_wait3A_732 : memref<1x336x128xf32, #tpu.memory_space<hbm>> -> memref<336x128xf32, #tpu.memory_space<hbm>>
    %dma_wait3A_734 = arith.constant 0 : i32
    %dma_wait3A_735 = arith.constant 0 : i32
    %dma_wait3A_736 = tpu.memref_slice %arg4[%add3A_208, %dma_wait3A_734, %dma_wait3A_735] : memref<1024x336x128xf32, #tpu.memory_space<hbm>> -> memref<1x336x128xf32, #tpu.memory_space<hbm>>
    %dma_wait3A_737 = tpu.memref_squeeze %dma_wait3A_736 : memref<1x336x128xf32, #tpu.memory_space<hbm>> -> memref<336x128xf32, #tpu.memory_space<hbm>>
    %dma_wait3A_738 = arith.constant 0 : i32
    %dma_wait3A_739 = tpu.memref_slice %arg5[%squeeze3A_204, %dma_wait3A_738] : memref<504x128xf32, #tpu.memory_space<vmem>> -> memref<336x128xf32, #tpu.memory_space<vmem>>
    tpu.wait_dma2 semaphore(%arg7 : memref<!tpu.dma_semaphore, #tpu.memory_space<semaphore_mem>>) src(%dma_wait3A_739 : memref<336x128xf32, #tpu.memory_space<vmem>>) dst(%dma_wait3A_737 : memref<336x128xf32, #tpu.memory_space<hbm>>)
    %dma_wait3A_740 = arith.constant 0 : i32
    %dma_wait3A_741 = tpu.memref_slice %arg5[%squeeze3A_222, %dma_wait3A_740] : memref<504x128xf32, #tpu.memory_space<vmem>> -> memref<336x128xf32, #tpu.memory_space<vmem>>
    %dma_wait3A_742 = arith.constant 0 : i32
    %dma_wait3A_743 = arith.constant 0 : i32
    %dma_wait3A_744 = tpu.memref_slice %arg4[%add3A_226, %dma_wait3A_742, %dma_wait3A_743] : memref<1024x336x128xf32, #tpu.memory_space<hbm>> -> memref<1x336x128xf32, #tpu.memory_space<hbm>>
    %dma_wait3A_745 = tpu.memref_squeeze %dma_wait3A_744 : memref<1x336x128xf32, #tpu.memory_space<hbm>> -> memref<336x128xf32, #tpu.memory_space<hbm>>
    %dma_wait3A_746 = arith.constant 0 : i32
    %dma_wait3A_747 = arith.constant 0 : i32
    %dma_wait3A_748 = tpu.memref_slice %arg4[%add3A_226, %dma_wait3A_746, %dma_wait3A_747] : memref<1024x336x128xf32, #tpu.memory_space<hbm>> -> memref<1x336x128xf32, #tpu.memory_space<hbm>>
    %dma_wait3A_749 = tpu.memref_squeeze %dma_wait3A_748 : memref<1x336x128xf32, #tpu.memory_space<hbm>> -> memref<336x128xf32, #tpu.memory_space<hbm>>
    %dma_wait3A_750 = arith.constant 0 : i32
    %dma_wait3A_751 = tpu.memref_slice %arg5[%squeeze3A_222, %dma_wait3A_750] : memref<504x128xf32, #tpu.memory_space<vmem>> -> memref<336x128xf32, #tpu.memory_space<vmem>>
    tpu.wait_dma2 semaphore(%arg7 : memref<!tpu.dma_semaphore, #tpu.memory_space<semaphore_mem>>) src(%dma_wait3A_751 : memref<336x128xf32, #tpu.memory_space<vmem>>) dst(%dma_wait3A_749 : memref<336x128xf32, #tpu.memory_space<hbm>>)
    %dma_wait3A_752 = arith.constant 0 : i32
    %dma_wait3A_753 = tpu.memref_slice %arg5[%squeeze3A_240, %dma_wait3A_752] : memref<504x128xf32, #tpu.memory_space<vmem>> -> memref<336x128xf32, #tpu.memory_space<vmem>>
    %dma_wait3A_754 = arith.constant 0 : i32
    %dma_wait3A_755 = arith.constant 0 : i32
    %dma_wait3A_756 = tpu.memref_slice %arg4[%add3A_244, %dma_wait3A_754, %dma_wait3A_755] : memref<1024x336x128xf32, #tpu.memory_space<hbm>> -> memref<1x336x128xf32, #tpu.memory_space<hbm>>
    %dma_wait3A_757 = tpu.memref_squeeze %dma_wait3A_756 : memref<1x336x128xf32, #tpu.memory_space<hbm>> -> memref<336x128xf32, #tpu.memory_space<hbm>>
    %dma_wait3A_758 = arith.constant 0 : i32
    %dma_wait3A_759 = arith.constant 0 : i32
    %dma_wait3A_760 = tpu.memref_slice %arg4[%add3A_244, %dma_wait3A_758, %dma_wait3A_759] : memref<1024x336x128xf32, #tpu.memory_space<hbm>> -> memref<1x336x128xf32, #tpu.memory_space<hbm>>
    %dma_wait3A_761 = tpu.memref_squeeze %dma_wait3A_760 : memref<1x336x128xf32, #tpu.memory_space<hbm>> -> memref<336x128xf32, #tpu.memory_space<hbm>>
    %dma_wait3A_762 = arith.constant 0 : i32
    %dma_wait3A_763 = tpu.memref_slice %arg5[%squeeze3A_240, %dma_wait3A_762] : memref<504x128xf32, #tpu.memory_space<vmem>> -> memref<336x128xf32, #tpu.memory_space<vmem>>
    tpu.wait_dma2 semaphore(%arg7 : memref<!tpu.dma_semaphore, #tpu.memory_space<semaphore_mem>>) src(%dma_wait3A_763 : memref<336x128xf32, #tpu.memory_space<vmem>>) dst(%dma_wait3A_761 : memref<336x128xf32, #tpu.memory_space<hbm>>)
    %dma_wait3A_764 = arith.constant 0 : i32
    %dma_wait3A_765 = tpu.memref_slice %arg5[%squeeze3A_258, %dma_wait3A_764] : memref<504x128xf32, #tpu.memory_space<vmem>> -> memref<336x128xf32, #tpu.memory_space<vmem>>
    %dma_wait3A_766 = arith.constant 0 : i32
    %dma_wait3A_767 = arith.constant 0 : i32
    %dma_wait3A_768 = tpu.memref_slice %arg4[%add3A_262, %dma_wait3A_766, %dma_wait3A_767] : memref<1024x336x128xf32, #tpu.memory_space<hbm>> -> memref<1x336x128xf32, #tpu.memory_space<hbm>>
    %dma_wait3A_769 = tpu.memref_squeeze %dma_wait3A_768 : memref<1x336x128xf32, #tpu.memory_space<hbm>> -> memref<336x128xf32, #tpu.memory_space<hbm>>
    %dma_wait3A_770 = arith.constant 0 : i32
    %dma_wait3A_771 = arith.constant 0 : i32
    %dma_wait3A_772 = tpu.memref_slice %arg4[%add3A_262, %dma_wait3A_770, %dma_wait3A_771] : memref<1024x336x128xf32, #tpu.memory_space<hbm>> -> memref<1x336x128xf32, #tpu.memory_space<hbm>>
    %dma_wait3A_773 = tpu.memref_squeeze %dma_wait3A_772 : memref<1x336x128xf32, #tpu.memory_space<hbm>> -> memref<336x128xf32, #tpu.memory_space<hbm>>
    %dma_wait3A_774 = arith.constant 0 : i32
    %dma_wait3A_775 = tpu.memref_slice %arg5[%squeeze3A_258, %dma_wait3A_774] : memref<504x128xf32, #tpu.memory_space<vmem>> -> memref<336x128xf32, #tpu.memory_space<vmem>>
    tpu.wait_dma2 semaphore(%arg7 : memref<!tpu.dma_semaphore, #tpu.memory_space<semaphore_mem>>) src(%dma_wait3A_775 : memref<336x128xf32, #tpu.memory_space<vmem>>) dst(%dma_wait3A_773 : memref<336x128xf32, #tpu.memory_space<hbm>>)
    %dma_wait3A_776 = arith.constant 0 : i32
    %dma_wait3A_777 = tpu.memref_slice %arg5[%squeeze3A_276, %dma_wait3A_776] : memref<504x128xf32, #tpu.memory_space<vmem>> -> memref<336x128xf32, #tpu.memory_space<vmem>>
    %dma_wait3A_778 = arith.constant 0 : i32
    %dma_wait3A_779 = arith.constant 0 : i32
    %dma_wait3A_780 = tpu.memref_slice %arg4[%add3A_280, %dma_wait3A_778, %dma_wait3A_779] : memref<1024x336x128xf32, #tpu.memory_space<hbm>> -> memref<1x336x128xf32, #tpu.memory_space<hbm>>
    %dma_wait3A_781 = tpu.memref_squeeze %dma_wait3A_780 : memref<1x336x128xf32, #tpu.memory_space<hbm>> -> memref<336x128xf32, #tpu.memory_space<hbm>>
    %dma_wait3A_782 = arith.constant 0 : i32
    %dma_wait3A_783 = arith.constant 0 : i32
    %dma_wait3A_784 = tpu.memref_slice %arg4[%add3A_280, %dma_wait3A_782, %dma_wait3A_783] : memref<1024x336x128xf32, #tpu.memory_space<hbm>> -> memref<1x336x128xf32, #tpu.memory_space<hbm>>
    %dma_wait3A_785 = tpu.memref_squeeze %dma_wait3A_784 : memref<1x336x128xf32, #tpu.memory_space<hbm>> -> memref<336x128xf32, #tpu.memory_space<hbm>>
    %dma_wait3A_786 = arith.constant 0 : i32
    %dma_wait3A_787 = tpu.memref_slice %arg5[%squeeze3A_276, %dma_wait3A_786] : memref<504x128xf32, #tpu.memory_space<vmem>> -> memref<336x128xf32, #tpu.memory_space<vmem>>
    tpu.wait_dma2 semaphore(%arg7 : memref<!tpu.dma_semaphore, #tpu.memory_space<semaphore_mem>>) src(%dma_wait3A_787 : memref<336x128xf32, #tpu.memory_space<vmem>>) dst(%dma_wait3A_785 : memref<336x128xf32, #tpu.memory_space<hbm>>)
    %dma_wait3A_788 = arith.constant 0 : i32
    %dma_wait3A_789 = tpu.memref_slice %arg5[%squeeze3A_294, %dma_wait3A_788] : memref<504x128xf32, #tpu.memory_space<vmem>> -> memref<336x128xf32, #tpu.memory_space<vmem>>
    %dma_wait3A_790 = arith.constant 0 : i32
    %dma_wait3A_791 = arith.constant 0 : i32
    %dma_wait3A_792 = tpu.memref_slice %arg4[%add3A_298, %dma_wait3A_790, %dma_wait3A_791] : memref<1024x336x128xf32, #tpu.memory_space<hbm>> -> memref<1x336x128xf32, #tpu.memory_space<hbm>>
    %dma_wait3A_793 = tpu.memref_squeeze %dma_wait3A_792 : memref<1x336x128xf32, #tpu.memory_space<hbm>> -> memref<336x128xf32, #tpu.memory_space<hbm>>
    %dma_wait3A_794 = arith.constant 0 : i32
    %dma_wait3A_795 = arith.constant 0 : i32
    %dma_wait3A_796 = tpu.memref_slice %arg4[%add3A_298, %dma_wait3A_794, %dma_wait3A_795] : memref<1024x336x128xf32, #tpu.memory_space<hbm>> -> memref<1x336x128xf32, #tpu.memory_space<hbm>>
    %dma_wait3A_797 = tpu.memref_squeeze %dma_wait3A_796 : memref<1x336x128xf32, #tpu.memory_space<hbm>> -> memref<336x128xf32, #tpu.memory_space<hbm>>
    %dma_wait3A_798 = arith.constant 0 : i32
    %dma_wait3A_799 = tpu.memref_slice %arg5[%squeeze3A_294, %dma_wait3A_798] : memref<504x128xf32, #tpu.memory_space<vmem>> -> memref<336x128xf32, #tpu.memory_space<vmem>>
    tpu.wait_dma2 semaphore(%arg7 : memref<!tpu.dma_semaphore, #tpu.memory_space<semaphore_mem>>) src(%dma_wait3A_799 : memref<336x128xf32, #tpu.memory_space<vmem>>) dst(%dma_wait3A_797 : memref<336x128xf32, #tpu.memory_space<hbm>>)
    %dma_wait3A_800 = arith.constant 0 : i32
    %dma_wait3A_801 = tpu.memref_slice %arg5[%squeeze3A_312, %dma_wait3A_800] : memref<504x128xf32, #tpu.memory_space<vmem>> -> memref<336x128xf32, #tpu.memory_space<vmem>>
    %dma_wait3A_802 = arith.constant 0 : i32
    %dma_wait3A_803 = arith.constant 0 : i32
    %dma_wait3A_804 = tpu.memref_slice %arg4[%add3A_316, %dma_wait3A_802, %dma_wait3A_803] : memref<1024x336x128xf32, #tpu.memory_space<hbm>> -> memref<1x336x128xf32, #tpu.memory_space<hbm>>
    %dma_wait3A_805 = tpu.memref_squeeze %dma_wait3A_804 : memref<1x336x128xf32, #tpu.memory_space<hbm>> -> memref<336x128xf32, #tpu.memory_space<hbm>>
    %dma_wait3A_806 = arith.constant 0 : i32
    %dma_wait3A_807 = arith.constant 0 : i32
    %dma_wait3A_808 = tpu.memref_slice %arg4[%add3A_316, %dma_wait3A_806, %dma_wait3A_807] : memref<1024x336x128xf32, #tpu.memory_space<hbm>> -> memref<1x336x128xf32, #tpu.memory_space<hbm>>
    %dma_wait3A_809 = tpu.memref_squeeze %dma_wait3A_808 : memref<1x336x128xf32, #tpu.memory_space<hbm>> -> memref<336x128xf32, #tpu.memory_space<hbm>>
    %dma_wait3A_810 = arith.constant 0 : i32
    %dma_wait3A_811 = tpu.memref_slice %arg5[%squeeze3A_312, %dma_wait3A_810] : memref<504x128xf32, #tpu.memory_space<vmem>> -> memref<336x128xf32, #tpu.memory_space<vmem>>
    tpu.wait_dma2 semaphore(%arg7 : memref<!tpu.dma_semaphore, #tpu.memory_space<semaphore_mem>>) src(%dma_wait3A_811 : memref<336x128xf32, #tpu.memory_space<vmem>>) dst(%dma_wait3A_809 : memref<336x128xf32, #tpu.memory_space<hbm>>)
    %dma_wait3A_812 = arith.constant 0 : i32
    %dma_wait3A_813 = tpu.memref_slice %arg5[%squeeze3A_333, %dma_wait3A_812] : memref<504x128xf32, #tpu.memory_space<vmem>> -> memref<336x128xf32, #tpu.memory_space<vmem>>
    %dma_wait3A_814 = arith.constant 0 : i32
    %dma_wait3A_815 = arith.constant 0 : i32
    %dma_wait3A_816 = tpu.memref_slice %arg4[%add3A_337, %dma_wait3A_814, %dma_wait3A_815] : memref<1024x336x128xf32, #tpu.memory_space<hbm>> -> memref<1x336x128xf32, #tpu.memory_space<hbm>>
    %dma_wait3A_817 = tpu.memref_squeeze %dma_wait3A_816 : memref<1x336x128xf32, #tpu.memory_space<hbm>> -> memref<336x128xf32, #tpu.memory_space<hbm>>
    %dma_wait3A_818 = arith.constant 0 : i32
    %dma_wait3A_819 = arith.constant 0 : i32
    %dma_wait3A_820 = tpu.memref_slice %arg4[%add3A_337, %dma_wait3A_818, %dma_wait3A_819] : memref<1024x336x128xf32, #tpu.memory_space<hbm>> -> memref<1x336x128xf32, #tpu.memory_space<hbm>>
    %dma_wait3A_821 = tpu.memref_squeeze %dma_wait3A_820 : memref<1x336x128xf32, #tpu.memory_space<hbm>> -> memref<336x128xf32, #tpu.memory_space<hbm>>
    %dma_wait3A_822 = arith.constant 0 : i32
    %dma_wait3A_823 = tpu.memref_slice %arg5[%squeeze3A_333, %dma_wait3A_822] : memref<504x128xf32, #tpu.memory_space<vmem>> -> memref<336x128xf32, #tpu.memory_space<vmem>>
    tpu.wait_dma2 semaphore(%arg7 : memref<!tpu.dma_semaphore, #tpu.memory_space<semaphore_mem>>) src(%dma_wait3A_823 : memref<336x128xf32, #tpu.memory_space<vmem>>) dst(%dma_wait3A_821 : memref<336x128xf32, #tpu.memory_space<hbm>>)
    %dma_wait3A_824 = arith.constant 0 : i32
    %dma_wait3A_825 = tpu.memref_slice %arg5[%squeeze3A_351, %dma_wait3A_824] : memref<504x128xf32, #tpu.memory_space<vmem>> -> memref<336x128xf32, #tpu.memory_space<vmem>>
    %dma_wait3A_826 = arith.constant 0 : i32
    %dma_wait3A_827 = arith.constant 0 : i32
    %dma_wait3A_828 = tpu.memref_slice %arg4[%add3A_355, %dma_wait3A_826, %dma_wait3A_827] : memref<1024x336x128xf32, #tpu.memory_space<hbm>> -> memref<1x336x128xf32, #tpu.memory_space<hbm>>
    %dma_wait3A_829 = tpu.memref_squeeze %dma_wait3A_828 : memref<1x336x128xf32, #tpu.memory_space<hbm>> -> memref<336x128xf32, #tpu.memory_space<hbm>>
    %dma_wait3A_830 = arith.constant 0 : i32
    %dma_wait3A_831 = arith.constant 0 : i32
    %dma_wait3A_832 = tpu.memref_slice %arg4[%add3A_355, %dma_wait3A_830, %dma_wait3A_831] : memref<1024x336x128xf32, #tpu.memory_space<hbm>> -> memref<1x336x128xf32, #tpu.memory_space<hbm>>
    %dma_wait3A_833 = tpu.memref_squeeze %dma_wait3A_832 : memref<1x336x128xf32, #tpu.memory_space<hbm>> -> memref<336x128xf32, #tpu.memory_space<hbm>>
    %dma_wait3A_834 = arith.constant 0 : i32
    %dma_wait3A_835 = tpu.memref_slice %arg5[%squeeze3A_351, %dma_wait3A_834] : memref<504x128xf32, #tpu.memory_space<vmem>> -> memref<336x128xf32, #tpu.memory_space<vmem>>
    tpu.wait_dma2 semaphore(%arg7 : memref<!tpu.dma_semaphore, #tpu.memory_space<semaphore_mem>>) src(%dma_wait3A_835 : memref<336x128xf32, #tpu.memory_space<vmem>>) dst(%dma_wait3A_833 : memref<336x128xf32, #tpu.memory_space<hbm>>)
    %dma_wait3A_836 = arith.constant 0 : i32
    %dma_wait3A_837 = tpu.memref_slice %arg5[%squeeze3A_369, %dma_wait3A_836] : memref<504x128xf32, #tpu.memory_space<vmem>> -> memref<336x128xf32, #tpu.memory_space<vmem>>
    %dma_wait3A_838 = arith.constant 0 : i32
    %dma_wait3A_839 = arith.constant 0 : i32
    %dma_wait3A_840 = tpu.memref_slice %arg4[%add3A_373, %dma_wait3A_838, %dma_wait3A_839] : memref<1024x336x128xf32, #tpu.memory_space<hbm>> -> memref<1x336x128xf32, #tpu.memory_space<hbm>>
    %dma_wait3A_841 = tpu.memref_squeeze %dma_wait3A_840 : memref<1x336x128xf32, #tpu.memory_space<hbm>> -> memref<336x128xf32, #tpu.memory_space<hbm>>
    %dma_wait3A_842 = arith.constant 0 : i32
    %dma_wait3A_843 = arith.constant 0 : i32
    %dma_wait3A_844 = tpu.memref_slice %arg4[%add3A_373, %dma_wait3A_842, %dma_wait3A_843] : memref<1024x336x128xf32, #tpu.memory_space<hbm>> -> memref<1x336x128xf32, #tpu.memory_space<hbm>>
    %dma_wait3A_845 = tpu.memref_squeeze %dma_wait3A_844 : memref<1x336x128xf32, #tpu.memory_space<hbm>> -> memref<336x128xf32, #tpu.memory_space<hbm>>
    %dma_wait3A_846 = arith.constant 0 : i32
    %dma_wait3A_847 = tpu.memref_slice %arg5[%squeeze3A_369, %dma_wait3A_846] : memref<504x128xf32, #tpu.memory_space<vmem>> -> memref<336x128xf32, #tpu.memory_space<vmem>>
    tpu.wait_dma2 semaphore(%arg7 : memref<!tpu.dma_semaphore, #tpu.memory_space<semaphore_mem>>) src(%dma_wait3A_847 : memref<336x128xf32, #tpu.memory_space<vmem>>) dst(%dma_wait3A_845 : memref<336x128xf32, #tpu.memory_space<hbm>>)
    %dma_wait3A_848 = arith.constant 0 : i32
    %dma_wait3A_849 = tpu.memref_slice %arg5[%squeeze3A_387, %dma_wait3A_848] : memref<504x128xf32, #tpu.memory_space<vmem>> -> memref<336x128xf32, #tpu.memory_space<vmem>>
    %dma_wait3A_850 = arith.constant 0 : i32
    %dma_wait3A_851 = arith.constant 0 : i32
    %dma_wait3A_852 = tpu.memref_slice %arg4[%add3A_391, %dma_wait3A_850, %dma_wait3A_851] : memref<1024x336x128xf32, #tpu.memory_space<hbm>> -> memref<1x336x128xf32, #tpu.memory_space<hbm>>
    %dma_wait3A_853 = tpu.memref_squeeze %dma_wait3A_852 : memref<1x336x128xf32, #tpu.memory_space<hbm>> -> memref<336x128xf32, #tpu.memory_space<hbm>>
    %dma_wait3A_854 = arith.constant 0 : i32
    %dma_wait3A_855 = arith.constant 0 : i32
    %dma_wait3A_856 = tpu.memref_slice %arg4[%add3A_391, %dma_wait3A_854, %dma_wait3A_855] : memref<1024x336x128xf32, #tpu.memory_space<hbm>> -> memref<1x336x128xf32, #tpu.memory_space<hbm>>
    %dma_wait3A_857 = tpu.memref_squeeze %dma_wait3A_856 : memref<1x336x128xf32, #tpu.memory_space<hbm>> -> memref<336x128xf32, #tpu.memory_space<hbm>>
    %dma_wait3A_858 = arith.constant 0 : i32
    %dma_wait3A_859 = tpu.memref_slice %arg5[%squeeze3A_387, %dma_wait3A_858] : memref<504x128xf32, #tpu.memory_space<vmem>> -> memref<336x128xf32, #tpu.memory_space<vmem>>
    tpu.wait_dma2 semaphore(%arg7 : memref<!tpu.dma_semaphore, #tpu.memory_space<semaphore_mem>>) src(%dma_wait3A_859 : memref<336x128xf32, #tpu.memory_space<vmem>>) dst(%dma_wait3A_857 : memref<336x128xf32, #tpu.memory_space<hbm>>)
    %dma_wait3A_860 = arith.constant 0 : i32
    %dma_wait3A_861 = tpu.memref_slice %arg5[%squeeze3A_405, %dma_wait3A_860] : memref<504x128xf32, #tpu.memory_space<vmem>> -> memref<336x128xf32, #tpu.memory_space<vmem>>
    %dma_wait3A_862 = arith.constant 0 : i32
    %dma_wait3A_863 = arith.constant 0 : i32
    %dma_wait3A_864 = tpu.memref_slice %arg4[%add3A_409, %dma_wait3A_862, %dma_wait3A_863] : memref<1024x336x128xf32, #tpu.memory_space<hbm>> -> memref<1x336x128xf32, #tpu.memory_space<hbm>>
    %dma_wait3A_865 = tpu.memref_squeeze %dma_wait3A_864 : memref<1x336x128xf32, #tpu.memory_space<hbm>> -> memref<336x128xf32, #tpu.memory_space<hbm>>
    %dma_wait3A_866 = arith.constant 0 : i32
    %dma_wait3A_867 = arith.constant 0 : i32
    %dma_wait3A_868 = tpu.memref_slice %arg4[%add3A_409, %dma_wait3A_866, %dma_wait3A_867] : memref<1024x336x128xf32, #tpu.memory_space<hbm>> -> memref<1x336x128xf32, #tpu.memory_space<hbm>>
    %dma_wait3A_869 = tpu.memref_squeeze %dma_wait3A_868 : memref<1x336x128xf32, #tpu.memory_space<hbm>> -> memref<336x128xf32, #tpu.memory_space<hbm>>
    %dma_wait3A_870 = arith.constant 0 : i32
    %dma_wait3A_871 = tpu.memref_slice %arg5[%squeeze3A_405, %dma_wait3A_870] : memref<504x128xf32, #tpu.memory_space<vmem>> -> memref<336x128xf32, #tpu.memory_space<vmem>>
    tpu.wait_dma2 semaphore(%arg7 : memref<!tpu.dma_semaphore, #tpu.memory_space<semaphore_mem>>) src(%dma_wait3A_871 : memref<336x128xf32, #tpu.memory_space<vmem>>) dst(%dma_wait3A_869 : memref<336x128xf32, #tpu.memory_space<hbm>>)
    %dma_wait3A_872 = arith.constant 0 : i32
    %dma_wait3A_873 = tpu.memref_slice %arg5[%squeeze3A_423, %dma_wait3A_872] : memref<504x128xf32, #tpu.memory_space<vmem>> -> memref<336x128xf32, #tpu.memory_space<vmem>>
    %dma_wait3A_874 = arith.constant 0 : i32
    %dma_wait3A_875 = arith.constant 0 : i32
    %dma_wait3A_876 = tpu.memref_slice %arg4[%add3A_427, %dma_wait3A_874, %dma_wait3A_875] : memref<1024x336x128xf32, #tpu.memory_space<hbm>> -> memref<1x336x128xf32, #tpu.memory_space<hbm>>
    %dma_wait3A_877 = tpu.memref_squeeze %dma_wait3A_876 : memref<1x336x128xf32, #tpu.memory_space<hbm>> -> memref<336x128xf32, #tpu.memory_space<hbm>>
    %dma_wait3A_878 = arith.constant 0 : i32
    %dma_wait3A_879 = arith.constant 0 : i32
    %dma_wait3A_880 = tpu.memref_slice %arg4[%add3A_427, %dma_wait3A_878, %dma_wait3A_879] : memref<1024x336x128xf32, #tpu.memory_space<hbm>> -> memref<1x336x128xf32, #tpu.memory_space<hbm>>
    %dma_wait3A_881 = tpu.memref_squeeze %dma_wait3A_880 : memref<1x336x128xf32, #tpu.memory_space<hbm>> -> memref<336x128xf32, #tpu.memory_space<hbm>>
    %dma_wait3A_882 = arith.constant 0 : i32
    %dma_wait3A_883 = tpu.memref_slice %arg5[%squeeze3A_423, %dma_wait3A_882] : memref<504x128xf32, #tpu.memory_space<vmem>> -> memref<336x128xf32, #tpu.memory_space<vmem>>
    tpu.wait_dma2 semaphore(%arg7 : memref<!tpu.dma_semaphore, #tpu.memory_space<semaphore_mem>>) src(%dma_wait3A_883 : memref<336x128xf32, #tpu.memory_space<vmem>>) dst(%dma_wait3A_881 : memref<336x128xf32, #tpu.memory_space<hbm>>)
    %dma_wait3A_884 = arith.constant 0 : i32
    %dma_wait3A_885 = tpu.memref_slice %arg5[%squeeze3A_441, %dma_wait3A_884] : memref<504x128xf32, #tpu.memory_space<vmem>> -> memref<336x128xf32, #tpu.memory_space<vmem>>
    %dma_wait3A_886 = arith.constant 0 : i32
    %dma_wait3A_887 = arith.constant 0 : i32
    %dma_wait3A_888 = tpu.memref_slice %arg4[%add3A_445, %dma_wait3A_886, %dma_wait3A_887] : memref<1024x336x128xf32, #tpu.memory_space<hbm>> -> memref<1x336x128xf32, #tpu.memory_space<hbm>>
    %dma_wait3A_889 = tpu.memref_squeeze %dma_wait3A_888 : memref<1x336x128xf32, #tpu.memory_space<hbm>> -> memref<336x128xf32, #tpu.memory_space<hbm>>
    %dma_wait3A_890 = arith.constant 0 : i32
    %dma_wait3A_891 = arith.constant 0 : i32
    %dma_wait3A_892 = tpu.memref_slice %arg4[%add3A_445, %dma_wait3A_890, %dma_wait3A_891] : memref<1024x336x128xf32, #tpu.memory_space<hbm>> -> memref<1x336x128xf32, #tpu.memory_space<hbm>>
    %dma_wait3A_893 = tpu.memref_squeeze %dma_wait3A_892 : memref<1x336x128xf32, #tpu.memory_space<hbm>> -> memref<336x128xf32, #tpu.memory_space<hbm>>
    %dma_wait3A_894 = arith.constant 0 : i32
    %dma_wait3A_895 = tpu.memref_slice %arg5[%squeeze3A_441, %dma_wait3A_894] : memref<504x128xf32, #tpu.memory_space<vmem>> -> memref<336x128xf32, #tpu.memory_space<vmem>>
    tpu.wait_dma2 semaphore(%arg7 : memref<!tpu.dma_semaphore, #tpu.memory_space<semaphore_mem>>) src(%dma_wait3A_895 : memref<336x128xf32, #tpu.memory_space<vmem>>) dst(%dma_wait3A_893 : memref<336x128xf32, #tpu.memory_space<hbm>>)
    %dma_wait3A_896 = arith.constant 0 : i32
    %dma_wait3A_897 = tpu.memref_slice %arg5[%squeeze3A_459, %dma_wait3A_896] : memref<504x128xf32, #tpu.memory_space<vmem>> -> memref<336x128xf32, #tpu.memory_space<vmem>>
    %dma_wait3A_898 = arith.constant 0 : i32
    %dma_wait3A_899 = arith.constant 0 : i32
    %dma_wait3A_900 = tpu.memref_slice %arg4[%add3A_463, %dma_wait3A_898, %dma_wait3A_899] : memref<1024x336x128xf32, #tpu.memory_space<hbm>> -> memref<1x336x128xf32, #tpu.memory_space<hbm>>
    %dma_wait3A_901 = tpu.memref_squeeze %dma_wait3A_900 : memref<1x336x128xf32, #tpu.memory_space<hbm>> -> memref<336x128xf32, #tpu.memory_space<hbm>>
    %dma_wait3A_902 = arith.constant 0 : i32
    %dma_wait3A_903 = arith.constant 0 : i32
    %dma_wait3A_904 = tpu.memref_slice %arg4[%add3A_463, %dma_wait3A_902, %dma_wait3A_903] : memref<1024x336x128xf32, #tpu.memory_space<hbm>> -> memref<1x336x128xf32, #tpu.memory_space<hbm>>
    %dma_wait3A_905 = tpu.memref_squeeze %dma_wait3A_904 : memref<1x336x128xf32, #tpu.memory_space<hbm>> -> memref<336x128xf32, #tpu.memory_space<hbm>>
    %dma_wait3A_906 = arith.constant 0 : i32
    %dma_wait3A_907 = tpu.memref_slice %arg5[%squeeze3A_459, %dma_wait3A_906] : memref<504x128xf32, #tpu.memory_space<vmem>> -> memref<336x128xf32, #tpu.memory_space<vmem>>
    tpu.wait_dma2 semaphore(%arg7 : memref<!tpu.dma_semaphore, #tpu.memory_space<semaphore_mem>>) src(%dma_wait3A_907 : memref<336x128xf32, #tpu.memory_space<vmem>>) dst(%dma_wait3A_905 : memref<336x128xf32, #tpu.memory_space<hbm>>)
    %dma_wait3A_908 = arith.constant 0 : i32
    %dma_wait3A_909 = tpu.memref_slice %arg5[%squeeze3A_477, %dma_wait3A_908] : memref<504x128xf32, #tpu.memory_space<vmem>> -> memref<336x128xf32, #tpu.memory_space<vmem>>
    %dma_wait3A_910 = arith.constant 0 : i32
    %dma_wait3A_911 = arith.constant 0 : i32
    %dma_wait3A_912 = tpu.memref_slice %arg4[%add3A_481, %dma_wait3A_910, %dma_wait3A_911] : memref<1024x336x128xf32, #tpu.memory_space<hbm>> -> memref<1x336x128xf32, #tpu.memory_space<hbm>>
    %dma_wait3A_913 = tpu.memref_squeeze %dma_wait3A_912 : memref<1x336x128xf32, #tpu.memory_space<hbm>> -> memref<336x128xf32, #tpu.memory_space<hbm>>
    %dma_wait3A_914 = arith.constant 0 : i32
    %dma_wait3A_915 = arith.constant 0 : i32
    %dma_wait3A_916 = tpu.memref_slice %arg4[%add3A_481, %dma_wait3A_914, %dma_wait3A_915] : memref<1024x336x128xf32, #tpu.memory_space<hbm>> -> memref<1x336x128xf32, #tpu.memory_space<hbm>>
    %dma_wait3A_917 = tpu.memref_squeeze %dma_wait3A_916 : memref<1x336x128xf32, #tpu.memory_space<hbm>> -> memref<336x128xf32, #tpu.memory_space<hbm>>
    %dma_wait3A_918 = arith.constant 0 : i32
    %dma_wait3A_919 = tpu.memref_slice %arg5[%squeeze3A_477, %dma_wait3A_918] : memref<504x128xf32, #tpu.memory_space<vmem>> -> memref<336x128xf32, #tpu.memory_space<vmem>>
    tpu.wait_dma2 semaphore(%arg7 : memref<!tpu.dma_semaphore, #tpu.memory_space<semaphore_mem>>) src(%dma_wait3A_919 : memref<336x128xf32, #tpu.memory_space<vmem>>) dst(%dma_wait3A_917 : memref<336x128xf32, #tpu.memory_space<hbm>>)
    %dma_wait3A_920 = arith.constant 0 : i32
    %dma_wait3A_921 = tpu.memref_slice %arg5[%squeeze3A_495, %dma_wait3A_920] : memref<504x128xf32, #tpu.memory_space<vmem>> -> memref<336x128xf32, #tpu.memory_space<vmem>>
    %dma_wait3A_922 = arith.constant 0 : i32
    %dma_wait3A_923 = arith.constant 0 : i32
    %dma_wait3A_924 = tpu.memref_slice %arg4[%add3A_499, %dma_wait3A_922, %dma_wait3A_923] : memref<1024x336x128xf32, #tpu.memory_space<hbm>> -> memref<1x336x128xf32, #tpu.memory_space<hbm>>
    %dma_wait3A_925 = tpu.memref_squeeze %dma_wait3A_924 : memref<1x336x128xf32, #tpu.memory_space<hbm>> -> memref<336x128xf32, #tpu.memory_space<hbm>>
    %dma_wait3A_926 = arith.constant 0 : i32
    %dma_wait3A_927 = arith.constant 0 : i32
    %dma_wait3A_928 = tpu.memref_slice %arg4[%add3A_499, %dma_wait3A_926, %dma_wait3A_927] : memref<1024x336x128xf32, #tpu.memory_space<hbm>> -> memref<1x336x128xf32, #tpu.memory_space<hbm>>
    %dma_wait3A_929 = tpu.memref_squeeze %dma_wait3A_928 : memref<1x336x128xf32, #tpu.memory_space<hbm>> -> memref<336x128xf32, #tpu.memory_space<hbm>>
    %dma_wait3A_930 = arith.constant 0 : i32
    %dma_wait3A_931 = tpu.memref_slice %arg5[%squeeze3A_495, %dma_wait3A_930] : memref<504x128xf32, #tpu.memory_space<vmem>> -> memref<336x128xf32, #tpu.memory_space<vmem>>
    tpu.wait_dma2 semaphore(%arg7 : memref<!tpu.dma_semaphore, #tpu.memory_space<semaphore_mem>>) src(%dma_wait3A_931 : memref<336x128xf32, #tpu.memory_space<vmem>>) dst(%dma_wait3A_929 : memref<336x128xf32, #tpu.memory_space<hbm>>)
    %dma_wait3A_932 = arith.constant 0 : i32
    %dma_wait3A_933 = tpu.memref_slice %arg5[%squeeze3A_513, %dma_wait3A_932] : memref<504x128xf32, #tpu.memory_space<vmem>> -> memref<336x128xf32, #tpu.memory_space<vmem>>
    %dma_wait3A_934 = arith.constant 0 : i32
    %dma_wait3A_935 = arith.constant 0 : i32
    %dma_wait3A_936 = tpu.memref_slice %arg4[%add3A_517, %dma_wait3A_934, %dma_wait3A_935] : memref<1024x336x128xf32, #tpu.memory_space<hbm>> -> memref<1x336x128xf32, #tpu.memory_space<hbm>>
    %dma_wait3A_937 = tpu.memref_squeeze %dma_wait3A_936 : memref<1x336x128xf32, #tpu.memory_space<hbm>> -> memref<336x128xf32, #tpu.memory_space<hbm>>
    %dma_wait3A_938 = arith.constant 0 : i32
    %dma_wait3A_939 = arith.constant 0 : i32
    %dma_wait3A_940 = tpu.memref_slice %arg4[%add3A_517, %dma_wait3A_938, %dma_wait3A_939] : memref<1024x336x128xf32, #tpu.memory_space<hbm>> -> memref<1x336x128xf32, #tpu.memory_space<hbm>>
    %dma_wait3A_941 = tpu.memref_squeeze %dma_wait3A_940 : memref<1x336x128xf32, #tpu.memory_space<hbm>> -> memref<336x128xf32, #tpu.memory_space<hbm>>
    %dma_wait3A_942 = arith.constant 0 : i32
    %dma_wait3A_943 = tpu.memref_slice %arg5[%squeeze3A_513, %dma_wait3A_942] : memref<504x128xf32, #tpu.memory_space<vmem>> -> memref<336x128xf32, #tpu.memory_space<vmem>>
    tpu.wait_dma2 semaphore(%arg7 : memref<!tpu.dma_semaphore, #tpu.memory_space<semaphore_mem>>) src(%dma_wait3A_943 : memref<336x128xf32, #tpu.memory_space<vmem>>) dst(%dma_wait3A_941 : memref<336x128xf32, #tpu.memory_space<hbm>>)
    %dma_wait3A_944 = arith.constant 0 : i32
    %dma_wait3A_945 = tpu.memref_slice %arg5[%squeeze3A_531, %dma_wait3A_944] : memref<504x128xf32, #tpu.memory_space<vmem>> -> memref<336x128xf32, #tpu.memory_space<vmem>>
    %dma_wait3A_946 = arith.constant 0 : i32
    %dma_wait3A_947 = arith.constant 0 : i32
    %dma_wait3A_948 = tpu.memref_slice %arg4[%add3A_535, %dma_wait3A_946, %dma_wait3A_947] : memref<1024x336x128xf32, #tpu.memory_space<hbm>> -> memref<1x336x128xf32, #tpu.memory_space<hbm>>
    %dma_wait3A_949 = tpu.memref_squeeze %dma_wait3A_948 : memref<1x336x128xf32, #tpu.memory_space<hbm>> -> memref<336x128xf32, #tpu.memory_space<hbm>>
    %dma_wait3A_950 = arith.constant 0 : i32
    %dma_wait3A_951 = arith.constant 0 : i32
    %dma_wait3A_952 = tpu.memref_slice %arg4[%add3A_535, %dma_wait3A_950, %dma_wait3A_951] : memref<1024x336x128xf32, #tpu.memory_space<hbm>> -> memref<1x336x128xf32, #tpu.memory_space<hbm>>
    %dma_wait3A_953 = tpu.memref_squeeze %dma_wait3A_952 : memref<1x336x128xf32, #tpu.memory_space<hbm>> -> memref<336x128xf32, #tpu.memory_space<hbm>>
    %dma_wait3A_954 = arith.constant 0 : i32
    %dma_wait3A_955 = tpu.memref_slice %arg5[%squeeze3A_531, %dma_wait3A_954] : memref<504x128xf32, #tpu.memory_space<vmem>> -> memref<336x128xf32, #tpu.memory_space<vmem>>
    tpu.wait_dma2 semaphore(%arg7 : memref<!tpu.dma_semaphore, #tpu.memory_space<semaphore_mem>>) src(%dma_wait3A_955 : memref<336x128xf32, #tpu.memory_space<vmem>>) dst(%dma_wait3A_953 : memref<336x128xf32, #tpu.memory_space<hbm>>)
    %dma_wait3A_956 = arith.constant 0 : i32
    %dma_wait3A_957 = tpu.memref_slice %arg5[%squeeze3A_549, %dma_wait3A_956] : memref<504x128xf32, #tpu.memory_space<vmem>> -> memref<336x128xf32, #tpu.memory_space<vmem>>
    %dma_wait3A_958 = arith.constant 0 : i32
    %dma_wait3A_959 = arith.constant 0 : i32
    %dma_wait3A_960 = tpu.memref_slice %arg4[%add3A_553, %dma_wait3A_958, %dma_wait3A_959] : memref<1024x336x128xf32, #tpu.memory_space<hbm>> -> memref<1x336x128xf32, #tpu.memory_space<hbm>>
    %dma_wait3A_961 = tpu.memref_squeeze %dma_wait3A_960 : memref<1x336x128xf32, #tpu.memory_space<hbm>> -> memref<336x128xf32, #tpu.memory_space<hbm>>
    %dma_wait3A_962 = arith.constant 0 : i32
    %dma_wait3A_963 = arith.constant 0 : i32
    %dma_wait3A_964 = tpu.memref_slice %arg4[%add3A_553, %dma_wait3A_962, %dma_wait3A_963] : memref<1024x336x128xf32, #tpu.memory_space<hbm>> -> memref<1x336x128xf32, #tpu.memory_space<hbm>>
    %dma_wait3A_965 = tpu.memref_squeeze %dma_wait3A_964 : memref<1x336x128xf32, #tpu.memory_space<hbm>> -> memref<336x128xf32, #tpu.memory_space<hbm>>
    %dma_wait3A_966 = arith.constant 0 : i32
    %dma_wait3A_967 = tpu.memref_slice %arg5[%squeeze3A_549, %dma_wait3A_966] : memref<504x128xf32, #tpu.memory_space<vmem>> -> memref<336x128xf32, #tpu.memory_space<vmem>>
    tpu.wait_dma2 semaphore(%arg7 : memref<!tpu.dma_semaphore, #tpu.memory_space<semaphore_mem>>) src(%dma_wait3A_967 : memref<336x128xf32, #tpu.memory_space<vmem>>) dst(%dma_wait3A_965 : memref<336x128xf32, #tpu.memory_space<hbm>>)
    %dma_wait3A_968 = arith.constant 0 : i32
    %dma_wait3A_969 = tpu.memref_slice %arg5[%squeeze3A_567, %dma_wait3A_968] : memref<504x128xf32, #tpu.memory_space<vmem>> -> memref<336x128xf32, #tpu.memory_space<vmem>>
    %dma_wait3A_970 = arith.constant 0 : i32
    %dma_wait3A_971 = arith.constant 0 : i32
    %dma_wait3A_972 = tpu.memref_slice %arg4[%add3A_571, %dma_wait3A_970, %dma_wait3A_971] : memref<1024x336x128xf32, #tpu.memory_space<hbm>> -> memref<1x336x128xf32, #tpu.memory_space<hbm>>
    %dma_wait3A_973 = tpu.memref_squeeze %dma_wait3A_972 : memref<1x336x128xf32, #tpu.memory_space<hbm>> -> memref<336x128xf32, #tpu.memory_space<hbm>>
    %dma_wait3A_974 = arith.constant 0 : i32
    %dma_wait3A_975 = arith.constant 0 : i32
    %dma_wait3A_976 = tpu.memref_slice %arg4[%add3A_571, %dma_wait3A_974, %dma_wait3A_975] : memref<1024x336x128xf32, #tpu.memory_space<hbm>> -> memref<1x336x128xf32, #tpu.memory_space<hbm>>
    %dma_wait3A_977 = tpu.memref_squeeze %dma_wait3A_976 : memref<1x336x128xf32, #tpu.memory_space<hbm>> -> memref<336x128xf32, #tpu.memory_space<hbm>>
    %dma_wait3A_978 = arith.constant 0 : i32
    %dma_wait3A_979 = tpu.memref_slice %arg5[%squeeze3A_567, %dma_wait3A_978] : memref<504x128xf32, #tpu.memory_space<vmem>> -> memref<336x128xf32, #tpu.memory_space<vmem>>
    tpu.wait_dma2 semaphore(%arg7 : memref<!tpu.dma_semaphore, #tpu.memory_space<semaphore_mem>>) src(%dma_wait3A_979 : memref<336x128xf32, #tpu.memory_space<vmem>>) dst(%dma_wait3A_977 : memref<336x128xf32, #tpu.memory_space<hbm>>)
    %dma_wait3A_980 = arith.constant 0 : i32
    %dma_wait3A_981 = tpu.memref_slice %arg5[%squeeze3A_585, %dma_wait3A_980] : memref<504x128xf32, #tpu.memory_space<vmem>> -> memref<336x128xf32, #tpu.memory_space<vmem>>
    %dma_wait3A_982 = arith.constant 0 : i32
    %dma_wait3A_983 = arith.constant 0 : i32
    %dma_wait3A_984 = tpu.memref_slice %arg4[%add3A_589, %dma_wait3A_982, %dma_wait3A_983] : memref<1024x336x128xf32, #tpu.memory_space<hbm>> -> memref<1x336x128xf32, #tpu.memory_space<hbm>>
    %dma_wait3A_985 = tpu.memref_squeeze %dma_wait3A_984 : memref<1x336x128xf32, #tpu.memory_space<hbm>> -> memref<336x128xf32, #tpu.memory_space<hbm>>
    %dma_wait3A_986 = arith.constant 0 : i32
    %dma_wait3A_987 = arith.constant 0 : i32
    %dma_wait3A_988 = tpu.memref_slice %arg4[%add3A_589, %dma_wait3A_986, %dma_wait3A_987] : memref<1024x336x128xf32, #tpu.memory_space<hbm>> -> memref<1x336x128xf32, #tpu.memory_space<hbm>>
    %dma_wait3A_989 = tpu.memref_squeeze %dma_wait3A_988 : memref<1x336x128xf32, #tpu.memory_space<hbm>> -> memref<336x128xf32, #tpu.memory_space<hbm>>
    %dma_wait3A_990 = arith.constant 0 : i32
    %dma_wait3A_991 = tpu.memref_slice %arg5[%squeeze3A_585, %dma_wait3A_990] : memref<504x128xf32, #tpu.memory_space<vmem>> -> memref<336x128xf32, #tpu.memory_space<vmem>>
    tpu.wait_dma2 semaphore(%arg7 : memref<!tpu.dma_semaphore, #tpu.memory_space<semaphore_mem>>) src(%dma_wait3A_991 : memref<336x128xf32, #tpu.memory_space<vmem>>) dst(%dma_wait3A_989 : memref<336x128xf32, #tpu.memory_space<hbm>>)
    %dma_wait3A_992 = arith.constant 0 : i32
    %dma_wait3A_993 = tpu.memref_slice %arg5[%squeeze3A_603, %dma_wait3A_992] : memref<504x128xf32, #tpu.memory_space<vmem>> -> memref<336x128xf32, #tpu.memory_space<vmem>>
    %dma_wait3A_994 = arith.constant 0 : i32
    %dma_wait3A_995 = arith.constant 0 : i32
    %dma_wait3A_996 = tpu.memref_slice %arg4[%add3A_607, %dma_wait3A_994, %dma_wait3A_995] : memref<1024x336x128xf32, #tpu.memory_space<hbm>> -> memref<1x336x128xf32, #tpu.memory_space<hbm>>
    %dma_wait3A_997 = tpu.memref_squeeze %dma_wait3A_996 : memref<1x336x128xf32, #tpu.memory_space<hbm>> -> memref<336x128xf32, #tpu.memory_space<hbm>>
    %dma_wait3A_998 = arith.constant 0 : i32
    %dma_wait3A_999 = arith.constant 0 : i32
    %dma_wait3A_1000 = tpu.memref_slice %arg4[%add3A_607, %dma_wait3A_998, %dma_wait3A_999] : memref<1024x336x128xf32, #tpu.memory_space<hbm>> -> memref<1x336x128xf32, #tpu.memory_space<hbm>>
    %dma_wait3A_1001 = tpu.memref_squeeze %dma_wait3A_1000 : memref<1x336x128xf32, #tpu.memory_space<hbm>> -> memref<336x128xf32, #tpu.memory_space<hbm>>
    %dma_wait3A_1002 = arith.constant 0 : i32
    %dma_wait3A_1003 = tpu.memref_slice %arg5[%squeeze3A_603, %dma_wait3A_1002] : memref<504x128xf32, #tpu.memory_space<vmem>> -> memref<336x128xf32, #tpu.memory_space<vmem>>
    tpu.wait_dma2 semaphore(%arg7 : memref<!tpu.dma_semaphore, #tpu.memory_space<semaphore_mem>>) src(%dma_wait3A_1003 : memref<336x128xf32, #tpu.memory_space<vmem>>) dst(%dma_wait3A_1001 : memref<336x128xf32, #tpu.memory_space<hbm>>)
    return
  }
}

</mosaic_0001>

<sc_bundles>
// kernel: kernel.3.cloned.1.call-start
scs
__scs_entry_jumppad:
0x0: {  	(pc) =	sbr.rel $0x88, $3  }
0x1: {  	(tag) =	ssettag $0x0;
	lr =	simm.s32 $0x1  }
0x2: {  	[smem:$0x3F9E] =	sst lr;
	_ =	strace $0xD0000000  }
0x3: {  	_ = 	snop  }
0x4: {  	_ = 	snop  }
0x5: {  	_ = 	snop  }
0x6: {  	_ = 	snop  }
0x7: {  	_ = 	snop  }
__scs_overlays_trampoline_lowered:
0x8: {  	[smem:$0x3FAD] =	sst s0  }
0x9: {  	[smem:$0x3FAE] =	sst s1  }
0xa: {  	[smem:$0x3FAF] =	sst s2  }
0xb: {  	[smem:$0x3FB0] =	sst s3  }
0xc: {  	[smem:$0x3FB1] =	sst s4  }
0xd: {  	[smem:$0x3FB2] =	sst s5  }
0xe: {  	[smem:$0x3FB3] =	sst s6  }
0xf: {  	[smem:$0x3FB4] =	sst s7  }
0x10: {  	[smem:$0x3FB5] =	sst s8  }
0x11: {  	[smem:$0x3FB6] =	sst s9;
	s0 =	simm.s32 @!p0 $0x0  }
0x12: {  	s1 =	sld [smem:$0x3F9C];
	s0 =	simm.s32 @p0 $0x1  }
0x13: {  	[smem:$0x3FB7] =	sst s0;
	s0 =	simm.s32 @!p1 $0x0  }
0x14: {  	s2 =	sld [smem:$0x3F9B];
	s0 =	simm.s32 @p1 $0x1  }
0x15: {  	[smem:$0x3FB8] =	sst s0;
	s0 =	simm.s32 @!p2 $0x0  }
0x16: {  	s3 =	sld [smem:$0x3FDB];
	s0 =	simm.s32 @p2 $0x1  }
0x17: {  	s4 =	simm.s32 $0x1BF5;
	[smem:$0x3FBA] =	sst s0  }
0x18: {  	s0 =	sld [smem:$0x3F9D];
	_ =	swait.ge [sflag:s4], $0x0  }
0x19: {  	s7 =	sld [smem:$0x3F9E]  }
0x1a: {  	s8 =	sadd.s32 $0xFFFFE003, lr  }
0x1b: {  	s9 =	sadd.s32 $0xFFFFFEF7, lr;
	s5 =	simm.s32 $0xFFFFFFFF;
	p2 =	slt.u32 s8, $0xFFFFF086  }
0x1c: {  	p1 =	slt.u32 s9, $0xF7A;
	s5 =	simm.s32 @!p2 $0x0  }
0x1d: {  	s5 =	simm.s32 @p1 $0x1;
	p0 =	seq.s32 s7, s2  }
0x1e: {  	s7 =	smul.u32 @!p0 $0xF7A, s2;
	p2 =	seq.s32 @!p0 s5, $0x0  }
0x1f: {  	s9 =	smul.u32 $0xF7A, s1;
	s8 =	simm.s32 @!p0 $0x1BF5;
	p2 =	por !p2, p0  }
0x20: {  	[sflag:s8] =	ssyncset.s32 @!p0 $0xFFFFF086;
	s6 =	sadd.s32 @!p0 s3, s7;
	s7 =	simm.s32 @!p0 $0x108  }
0x21: {  	s3 =	sadd.s32 s3, s9;
	s6 =	sadd.s32 @!p0 $0x88, s6;
	s7 =	simm.s32 @p2 $0x1082  }
0x22: {  	[simem:s7], [sflag:s8] =	dma.local @!p0 [hbm:s6], $0xF7A  }
0x23: {  	s9 =	sor.u32 $0xD0000000, s2;
	s6 =	simm.s32 $0x108;
	_ =	swait.ge @!p0 [sflag:s8], $0x0  }
0x24: {  	s3 =	sadd.s32 $0x88, s3;
	s6 =	simm.s32 @!p1 $0x1082;
	[sflag:s4] =	ssyncset.s32 $0xFFFFF086  }
0x25: {  	[simem:s6], [sflag:s4] =	dma.local [hbm:s3], $0xF7A  }
0x26: {  	[smem:$0x3F9E] =	sst s1;
	(tag) =	ssettag s2;
	_ =	strace s9  }
0x27: {  	s1 =	sld [smem:$0x3FAE]  }
0x28: {  	s2 =	sld [smem:$0x3FAF]  }
0x29: {  	s4 =	sld [smem:$0x3FB1]  }
0x2a: {  	p0 =	seq.s32 s5, $0x0;
	s5 =	sld [smem:$0x3FB2]  }
0x2b: {  	s6 =	sld [smem:$0x3FB3]  }
0x2c: {  	s7 =	sld [smem:$0x3FB4]  }
0x2d: {  	s3 =	simm.s32 $0x108;
	s8 =	sld [smem:$0x3FB5]  }
0x2e: {  	s3 =	simm.s32 @!p0 $0x1082;
	s9 =	sld [smem:$0x3FB6]  }
0x2f: {  	lr =	sadd.s32 s0, s3;
	s0 =	sld [smem:$0x3FAD]  }
0x30: {  	s3 =	sld [smem:$0x3FB0]  }
0x31: {  	[smem:$0x3FB9] =	sst s10  }
0x32: {  	s10 =	sld [smem:$0x3FB7];
	_ =	sdelay $0x3  }
0x33: {  	p0 =	seq.s32 s10, $0x1;
	s10 =	sld [smem:$0x3FB9];
	_ =	sdelay $0x3  }
0x34: {  	[smem:$0x3FB9] =	sst s10  }
0x35: {  	s10 =	sld [smem:$0x3FB8];
	_ =	sdelay $0x3  }
0x36: {  	p1 =	seq.s32 s10, $0x1;
	s10 =	sld [smem:$0x3FB9];
	_ =	sdelay $0x3  }
0x37: {  	[smem:$0x3FB9] =	sst s10  }
0x38: {  	s10 =	sld [smem:$0x3FBA]  }
0x39: {  	_ = 	snop;
	(pc) =	sbr.ind lr, $3  }
0x3a: {  	_ = 	snop  }
0x3b: {  	_ = 	snop  }
0x3c: {  	p2 =	seq.s32 s10, $0x1;
	s10 =	sld [smem:$0x3FB9]  }
0x3d: {  	_ =	shalt  }
0x3e: {  	_ =	shalt  }
0x3f: {  	_ =	shalt  }
0x40: {  	_ =	shalt  }
0x41: {  	_ =	shalt  }
0x42: {  	_ =	shalt  }
0x43: {  	_ =	shalt  }
0x44: {  	_ =	shalt  }
0x45: {  	_ =	shalt  }
0x46: {  	_ =	shalt  }
0x47: {  	_ =	shalt  }
0x48: {  	_ =	shalt  }
0x49: {  	_ =	shalt  }
0x4a: {  	_ =	shalt  }
0x4b: {  	_ =	shalt  }
0x4c: {  	_ =	shalt  }
0x4d: {  	_ =	shalt  }
0x4e: {  	_ =	shalt  }
0x4f: {  	_ =	shalt  }
0x50: {  	_ =	shalt  }
0x51: {  	_ =	shalt  }
0x52: {  	_ =	shalt  }
0x53: {  	_ =	shalt  }
0x54: {  	_ =	shalt  }
0x55: {  	_ =	shalt  }
0x56: {  	_ =	shalt  }
0x57: {  	_ =	shalt  }
0x58: {  	_ =	shalt  }
0x59: {  	_ =	shalt  }
0x5a: {  	_ =	shalt  }
0x5b: {  	_ =	shalt  }
0x5c: {  	_ =	shalt  }
0x5d: {  	_ =	shalt  }
0x5e: {  	_ =	shalt  }
0x5f: {  	_ =	shalt  }
0x60: {  	_ =	shalt  }
0x61: {  	_ =	shalt  }
0x62: {  	_ =	shalt  }
0x63: {  	_ =	shalt  }
0x64: {  	_ =	shalt  }
0x65: {  	_ =	shalt  }
0x66: {  	_ =	shalt  }
0x67: {  	_ =	shalt  }
0x68: {  	_ =	shalt  }
0x69: {  	_ =	shalt  }
0x6a: {  	_ =	shalt  }
0x6b: {  	_ =	shalt  }
0x6c: {  	_ =	shalt  }
0x6d: {  	_ =	shalt  }
0x6e: {  	_ =	shalt  }
0x6f: {  	_ =	shalt  }
0x70: {  	_ =	shalt  }
0x71: {  	_ =	shalt  }
0x72: {  	_ =	shalt  }
0x73: {  	_ =	shalt  }
0x74: {  	_ =	shalt  }
0x75: {  	_ =	shalt  }
0x76: {  	_ =	shalt  }
0x77: {  	_ =	shalt  }
0x78: {  	_ =	shalt  }
0x79: {  	_ =	shalt  }
0x7a: {  	_ =	shalt  }
0x7b: {  	_ =	shalt  }
0x7c: {  	_ =	shalt  }
0x7d: {  	_ =	shalt  }
0x7e: {  	_ =	shalt  }
0x7f: {  	_ =	shalt  }
0x80: {  	_ =	shalt  }
0x81: {  	_ =	shalt  }
0x82: {  	_ =	shalt  }
0x83: {  	_ =	shalt  }
0x84: {  	_ =	shalt  }
0x85: {  	_ =	shalt  }
0x86: {  	_ =	shalt  }
0x87: {  	_ =	shalt  }
.Lfunc_end0:
.L_simem_size_0:
called_computation_lowered:
.L_overlay_start_0:
0x88: {  	s2 =	sld [smem:$0x3FD9]  }
0x89: {  	s3 =	sld [smem:$0x3FFE];
	_ =	sdelay $0x1  }
0x8a: {  	s1 =	srdreg.scid  }
0x8b: {  	s0 =	sand.u32 $0x1, s1  }
0x8c: {  	s17 =	sshll.u32 s0, $0xA;
	s2 =	sadd.s32 s3, s2  }
0x8d: {  	s2 =	sadd.s32 s2, s17  }
0x8e: {  	[smem:$0x3FC5] =	sst s2  }
0x8f: {  	_ = 	snop  }
0x90: {  	s2 =	sld [smem:$0x3FC7]  }
0x91: {  	s18 =	sld [smem:$0x3FD0];
	(tm) =	ssettm $0x1  }
0x92: {  	s4 =	sld [smem:$0x3FFB];
	_ =	sdelay $0x3  }
0x93: {  	_ =	strace s4  }
0x94: {  	s4 =	sld [smem:$0x3FFC];
	_ =	sdelay $0x3  }
0x95: {  	_ =	strace s4  }
0x96: {  	s4 =	sld [smem:$0x3FFD];
	_ =	sdelay $0x3  }
0x97: {  	_ =	strace s4  }
0x98: {  	_ =	strace $0x8FFFFFFF  }
0x99: {  	s19 =	sld [smem:$0x3FDB];
	_ =	sdelay $0x1  }
0x9a: {  	s5 =	simm.s32 $_scs_section_size  }
0x9b: {  	s6 =	simm.s32 $_size__tile_overlayer_lowered;
	s7 =	simm.s32 $_tile_overlayer_lowered  }
0x9c: {  	s22 =	simm.s32 $0x1BFF;
	s21 =	sshll.u32 s7, $0x1;
	s4 =	sadd.s32 s5, s19  }
0x9d: {  	s8 =	simm.s32 $0x0;
	s20 =	sshll.u32 s6, $0x1;
	s6 =	sadd.s32 s21, s4  }
0x9e: {  	[timem:s8], [sflag:s22] =	dma.local [hbm:s6], s20  }
0x9f: {  	_ =	swait.ge [sflag:s22], s20  }
0xa0: {  	s5 =	ssub.s32 $0x0, s20;
	[sflag:s22] =	ssyncset.done $0x0  }
0xa1: {  	[sflag:s22] =	ssyncadd.s32 s5;
	_ =	sdelay $0x1  }
0xa2: {  	s23 =	simm.s32 $0x1B8B  }
0xa3: {  	_ =	swait.ge [sflag:s23], $0x1  }
0xa4: {  	[sflag:s23] =	ssyncset.done $0x0  }
0xa5: {  	s25 =	simm.s32 $0x1B8E;
	s24 =	sld [smem:$0x3FFE];
	[sflag:s23] =	ssyncadd.s32 $0xFFFFFFFF  }
0xa6: {  	s26 =	simm.s32 $execute0_lowered;
	[smem:$0x3FD2] =	sst s25  }
0xa7: {  	s6 =	sshll.u32 s26, $0x1;
	_ =	strace $0x80000046;
	[dreg:$0x1] =	wrdreg $0xFFFFFFFF  }
0xa8: {  	s28 =	simm.s32 $_size_execute0_lowered;
	s4 =	sadd.s32 s4, s6;
	[dreg:$0x0] =	wrdreg $0x0  }
0xa9: {  	s6 =	sshll.u32 s28, $0x1;
	[dreg:$0x2] =	wrdreg s4  }
0xaa: {  	[dreg:$0x3] =	wrdreg s6  }
0xab: {  	[dreg:$0x4] =	wrdreg $0xC0  }
0xac: {  	_ =	task [dreg:s8], $0x5FFFF  }
0xad: {  	[dreg:$0x1] =	wrdreg $0xFFFFFFFF  }
0xae: {  	[dreg:$0x0] =	wrdreg $0x60  }
0xaf: {  	[dreg:$0x2] =	wrdreg s2  }
0xb0: {  	[dreg:$0x3] =	wrdreg s24  }
0xb1: {  	[dreg:$0x4] =	wrdreg s18  }
0xb2: {  	[dreg:$0x5] =	wrdreg $0x9  }
0xb3: {  	_ =	task.clear_ibuf [dreg:s8], $0x6FFFF;
	_ =	strace $0x90000046  }
0xb4: {  	s29 =	simm.s32 $0x9;
	_ =	strace $0x80000048  }
0xb5: {  	_ =	swait.ge [sflag:s29], $0x1  }
0xb6: {  	[sflag:s29] =	ssyncadd.s32 $0xFFFFFFFF  }
0xb7: {  	_ =	strace $0x90000048  }
0xb8: {  	_ =	sfence  }
0xb9: {  	s30 =	sld [smem:$0x0];
	_ =	sdelay $0x2  }
0xba: {  	s31 =	sshll.u32 s1, $0xD;
	s1 =	sshrl.u32 s1, $0x2  }
0xbb: {  	s3 =	sand.u32 $0x4000, s31;
	s1 =	sadd.s32 s1, s30  }
0xbc: {  	s0 =	sor.u32 s3, s0;
	s1 =	sshll.u32 s1, $0x11  }
0xbd: {  	s0 =	sor.u32 s1, s0  }
0xbe: {  	s0 =	sadd.s32 $0x8F2B, s0  }
0xbf: {  	[sflag:s0] =	ssyncadd.remote.s32 $0x1  }
0xc0: {  	_ =	sfence.sel $0xFFFF  }
0xc1: {  	[dreg:$0x0] =	wrdreg $0xFFFFFFFF;
	(pc) =	sbr.abs _section_cstart, $3  }
0xc2: {  	[dreg:$0x1] =	wrdreg $0xFFFFFFFF  }
0xc3: {  	_ =	task.clear_ibuf [dreg:s8], $0x2FFFF;
	_ =	strace $0x9FFFFFFF  }
0xc4: {  	(tm) =	ssettm $0x7FFFFFFF  }
0xc5: {  	_ =	shalt  }
tec
execute0_lowered:
.L_overlay_start_1:
0x0: {  	(tag) =	ssettag $0x1  }
0x1: {  	s1 =	srdreg.scid  }
0x2: {  	s0 =	stileid.u32;
	s2 =	sand.u32 $0x1, s1  }
0x3: {  	s5 =	rddreg [dreg:$0x0];
	s3 =	sshll.u32 s0, $0x5;
	s1 =	sshll.u32 s2, $0x9  }
0x4: {  	s4 =	rddreg [dreg:$0x1];
	s7 =	sor.u32 s3, s1  }
0x5: {  	s6 =	rddreg [dreg:$0x2];
	s3 =	simm.s32 $0x0;
	s8 =	smul.u32 $0x1500, s7  }
0x6: {  	[smem:$0x7FF] =	sst s3;
	s9 =	sshrl.u32 s7, $0x3;
	s7 =	smul.u32 $0xA800, s7  }
0x7: {  	s1 =	rddreg [dreg:$0x3];
	s4 =	sadd.s32 s9, s4;
	_ =	strace $0x80000047  }
0x8: {  	s9 =	sadd.s32 $0x400, s4;
	s4 =	sadd.s32 s6, s8;
	s7 =	sshrl.u32 s7, $0x3  }
0x9: {  	[dreg:$0x4] =	wrdreg s9;
	s8 =	sadd.s32 $0x1500, s4;
	s6 =	sadd.s32 s6, s7  }
0xa: {  	[dreg:$0x5] =	wrdreg s8;
	s7 =	sadd.s32 $0x2A00, s6  }
0xb: {  	s22 =	sadd.s32 $0x3F00, s6;
	[dreg:$0x6] =	wrdreg s7  }
0xc: {  	s23 =	sadd.s32 $0x5400, s6;
	[dreg:$0x7] =	wrdreg s22  }
0xd: {  	s24 =	sadd.s32 $0x6900, s6;
	[dreg:$0x8] =	wrdreg s23  }
0xe: {  	s25 =	sadd.s32 $0x7E00, s6;
	[dreg:$0x9] =	wrdreg s24  }
0xf: {  	s26 =	sadd.s32 $0x9300, s6;
	[dreg:$0xa] =	wrdreg s25  }
0x10: {  	s28 =	sadd.s32 $0xA800, s6;
	[dreg:$0xb] =	wrdreg s26  }
0x11: {  	s29 =	sadd.s32 $0xBD00, s6;
	[dreg:$0xc] =	wrdreg s28  }
0x12: {  	s30 =	sadd.s32 $0xD200, s6;
	[dreg:$0xd] =	wrdreg s29  }
0x13: {  	s31 =	sadd.s32 $0xE700, s6;
	[dreg:$0xe] =	wrdreg s30  }
0x14: {  	s8 =	sadd.s32 $0xFC00, s6;
	[dreg:$0xf] =	wrdreg s31  }
0x15: {  	s9 =	sadd.s32 $0x11100, s6;
	[dreg:$0x10] =	wrdreg s8  }
0x16: {  	s10 =	sadd.s32 $0x12600, s6;
	[dreg:$0x11] =	wrdreg s9  }
0x17: {  	s11 =	sadd.s32 $0x13B00, s6;
	[dreg:$0x12] =	wrdreg s10  }
0x18: {  	s12 =	sadd.s32 $0x15000, s6;
	[dreg:$0x13] =	wrdreg s11  }
0x19: {  	s13 =	sadd.s32 $0x16500, s6;
	[dreg:$0x14] =	wrdreg s12  }
0x1a: {  	s14 =	sadd.s32 $0x17A00, s6;
	[dreg:$0x15] =	wrdreg s13  }
0x1b: {  	s15 =	sadd.s32 $0x18F00, s6;
	[dreg:$0x16] =	wrdreg s14  }
0x1c: {  	s16 =	sadd.s32 $0x1A400, s6;
	[dreg:$0x17] =	wrdreg s15  }
0x1d: {  	s17 =	sadd.s32 $0x1B900, s6;
	[dreg:$0x18] =	wrdreg s16  }
0x1e: {  	s18 =	sadd.s32 $0x1CE00, s6;
	[dreg:$0x19] =	wrdreg s17  }
0x1f: {  	s19 =	sadd.s32 $0x1E300, s6;
	[dreg:$0x1a] =	wrdreg s18  }
0x20: {  	s20 =	sadd.s32 $0x1F800, s6;
	[dreg:$0x1b] =	wrdreg s19  }
0x21: {  	s21 =	sadd.s32 $0x20D00, s6;
	[dreg:$0x1c] =	wrdreg s20  }
0x22: {  	[dreg:$0x1d] =	wrdreg s21;
	s22 =	sadd.s32 $0x22200, s6  }
0x23: {  	s2 =	ssub.s32 $0x2, s2;
	s23 =	sadd.s32 $0x23700, s6;
	[dreg:$0x1e] =	wrdreg s22  }
0x24: {  	s24 =	sadd.s32 $0x24C00, s6;
	s28 =	sshrl.u32 s2, $0x1;
	[dreg:$0x1f] =	wrdreg s23  }
0x25: {  	s25 =	sadd.s32 $0x26100, s6;
	[smem:$0x7F7] =	sst s24;
	s2 =	ssub.s32 s2, s28  }
0x26: {  	s26 =	sadd.s32 $0x27600, s6;
	[smem:$0x7F8] =	sst s25;
	s7 =	smax.u32 s2, $0x1  }
0x27: {  	s6 =	sadd.s32 $0x28B00, s6;
	[smem:$0x7F9] =	sst s26;
	p1 =	sne.s32 s7, $0x1  }
.Ltmp0:
0x28: {  	s29 =	simm.s32 $0x5400;
	[smem:$0x7FA] =	sst s6;
	(pc) =	sbr.rel @!p1 .LBB2_3-.Ltmp0, $4  }
0x29: {  	s30 =	simm.s32 $0xA800;
	[smem:$0x7FB] =	sst s29  }
0x2a: {  	s31 =	simm.s32 $0xFC00;
	[smem:$0x7FC] =	sst s30  }
0x2b: {  	p0 =	por $0x0, $0x0;
	[smem:$0x7FD] =	sst s31  }
0x2c: {  	s2 =	simm.s32 $0x1;
	s6 =	sadd.s32 $0xFFFFFFFF, s7;
	s7 =	sld [smem:$0x7FD]  }
0x2d: {  	s8 =	sld [smem:$0x7FB]  }
0x2e: {  	[tilespmem:s3], [sflag:$0x1] =	stream.linear.gather [hbm4b:s5+s3], $0x5400, $0x38;
	[tilespmem:$0xFC80] =	vst v63  }
0x2f: {  	s9 =	sld [smem:$0x7FC]  }
0x30: {  	[tilespmem:s8], [sflag:$0x1] =	stream.linear.gather [hbm4b:s5+s3], $0x5400, $0x38;
	[tilespmem:$0xFC80] =	vst v63  }
0x31: {  	_ = 	snop  }
0x32: {  	[tilespmem:s9], [sflag:$0x1] =	stream.linear.gather [hbm4b:s5+s3], $0x5400, $0x38;
	[tilespmem:$0xFC80] =	vst v63  }
0x33: {  	s31 =	rddreg [dreg:$0x4]  }
0x34: {  	[tilespmem:s7], [sflag:$0x1] =	stream.linear.gather [hbm4b:s31+s3], $0x20, $0x38;
	[tilespmem:$0xFC80] =	vst v63  }
0x35: {  	_ =	swait.ge [sflag:s2], $0x5400  }
0x36: {  	[sflag:s2] =	ssyncset.done $0x0  }
0x37: {  	[sflag:s2] =	ssyncadd.s32 $0xFFFFAC00  }
0x38: {  	_ =	swait.ge [sflag:s2], $0x5400  }
0x39: {  	[sflag:s2] =	ssyncset.done $0x0  }
0x3a: {  	[sflag:s2] =	ssyncadd.s32 $0xFFFFAC00  }
0x3b: {  	_ =	swait.ge [sflag:s2], $0x5400  }
0x3c: {  	[sflag:s2] =	ssyncset.done $0x0  }
0x3d: {  	[sflag:s2] =	ssyncadd.s32 $0xFFFFAC00  }
0x3e: {  	_ =	swait.ge [sflag:s2], $0x20  }
0x3f: {  	[sflag:s2] =	ssyncset.done $0x0  }
0x40: {  	[sflag:s2] =	ssyncadd.s32 $0xFFFFFFE0  }
0x41: {  	v0 =	vld [tilespmem:$0xFC00];
	_ =	sdelay $0x4  }
0x42: {  	v0 =	vshll.u32 v0, $0x9  }
0x43: {  	v0 =	vshra.s32 v0, $0x2  }
0x44: {  	(v2sf) =	vpush v0, $0x0;
	_ =	sdelay $0x1  }
0x45: {  	(v2sf) =	vpush v0, $0x1;
	_ =	sdelay $0x1  }
0x46: {  	(v2sf) =	vpush v0, $0x2;
	_ =	sdelay $0x1  }
0x47: {  	(v2sf) =	vpush v0, $0x3;
	_ =	sdelay $0x1  }
0x48: {  	(v2sf) =	vpush v0, $0x4;
	_ =	sdelay $0x1  }
0x49: {  	(v2sf) =	vpush v0, $0x5;
	_ =	sdelay $0x1  }
0x4a: {  	(v2sf) =	vpush v0, $0x6;
	_ =	sdelay $0x1  }
0x4b: {  	(v2sf) =	vpush v0, $0x7  }
0x4c: {  	s11 =	spop (v2sf)  }
0x4d: {  	(v2sf) =	vpush v0, $0x8;
	[hbm4b:s4+s3] =	stream.linear.scatter [tilespmem:s11], [sflag:$0x1], $0xA800, $0x38;
	[tilespmem:$0xFC80] =	vst v63  }
0x4e: {  	s10 =	rddreg [dreg:$0x5];
	s13 =	spop (v2sf)  }
0x4f: {  	(v2sf) =	vpush v0, $0x9;
	[hbm4b:s10+s3] =	stream.linear.scatter [tilespmem:s13], [sflag:$0x1], $0xA800, $0x38;
	[tilespmem:$0xFC80] =	vst v63  }
0x50: {  	s12 =	rddreg [dreg:$0x6];
	s15 =	spop (v2sf)  }
0x51: {  	(v2sf) =	vpush v0, $0xA;
	[hbm4b:s12+s3] =	stream.linear.scatter [tilespmem:s15], [sflag:$0x1], $0xA800, $0x38;
	[tilespmem:$0xFC80] =	vst v63  }
0x52: {  	s14 =	rddreg [dreg:$0x7];
	s17 =	spop (v2sf)  }
0x53: {  	(v2sf) =	vpush v0, $0xB;
	[hbm4b:s14+s3] =	stream.linear.scatter [tilespmem:s17], [sflag:$0x1], $0xA800, $0x38;
	[tilespmem:$0xFC80] =	vst v63  }
0x54: {  	s16 =	rddreg [dreg:$0x8];
	s19 =	spop (v2sf)  }
0x55: {  	(v2sf) =	vpush v0, $0xC;
	[hbm4b:s16+s3] =	stream.linear.scatter [tilespmem:s19], [sflag:$0x1], $0xA800, $0x38;
	[tilespmem:$0xFC80] =	vst v63  }
0x56: {  	s18 =	rddreg [dreg:$0x9];
	s21 =	spop (v2sf)  }
0x57: {  	(v2sf) =	vpush v0, $0xD;
	[hbm4b:s18+s3] =	stream.linear.scatter [tilespmem:s21], [sflag:$0x1], $0xA800, $0x38;
	[tilespmem:$0xFC80] =	vst v63  }
0x58: {  	s20 =	rddreg [dreg:$0xa];
	s23 =	spop (v2sf)  }
0x59: {  	(v2sf) =	vpush v0, $0xE;
	[hbm4b:s20+s3] =	stream.linear.scatter [tilespmem:s23], [sflag:$0x1], $0xA800, $0x38;
	[tilespmem:$0xFC80] =	vst v63  }
0x5a: {  	s22 =	rddreg [dreg:$0xb];
	s25 =	spop (v2sf)  }
0x5b: {  	(v2sf) =	vpush v0, $0xF;
	[hbm4b:s22+s3] =	stream.linear.scatter [tilespmem:s25], [sflag:$0x1], $0xA800, $0x38;
	[tilespmem:$0xFC80] =	vst v63  }
0x5c: {  	s24 =	rddreg [dreg:$0xc];
	s28 =	spop (v2sf)  }
0x5d: {  	[hbm4b:s24+s3] =	stream.linear.scatter [tilespmem:s28], [sflag:$0x1], $0xA800, $0x38;
	[tilespmem:$0xFC80] =	vst v63  }
0x5e: {  	s26 =	rddreg [dreg:$0xd];
	s30 =	spop (v2sf)  }
0x5f: {  	[hbm4b:s26+s3] =	stream.linear.scatter [tilespmem:s30], [sflag:$0x1], $0xA800, $0x38;
	[tilespmem:$0xFC80] =	vst v63  }
0x60: {  	s29 =	rddreg [dreg:$0xe];
	s10 =	spop (v2sf)  }
0x61: {  	[hbm4b:s29+s3] =	stream.linear.scatter [tilespmem:s10], [sflag:$0x1], $0xA800, $0x38;
	[tilespmem:$0xFC80] =	vst v63  }
0x62: {  	s31 =	rddreg [dreg:$0xf];
	s12 =	spop (v2sf)  }
0x63: {  	[hbm4b:s31+s3] =	stream.linear.scatter [tilespmem:s12], [sflag:$0x1], $0xA800, $0x38;
	[tilespmem:$0xFC80] =	vst v63  }
0x64: {  	s11 =	rddreg [dreg:$0x10];
	s14 =	spop (v2sf)  }
0x65: {  	[hbm4b:s11+s3] =	stream.linear.scatter [tilespmem:s14], [sflag:$0x1], $0xA800, $0x38;
	[tilespmem:$0xFC80] =	vst v63  }
0x66: {  	s13 =	rddreg [dreg:$0x11];
	s16 =	spop (v2sf)  }
0x67: {  	[hbm4b:s13+s3] =	stream.linear.scatter [tilespmem:s16], [sflag:$0x1], $0xA800, $0x38;
	[tilespmem:$0xFC80] =	vst v63  }
0x68: {  	s15 =	rddreg [dreg:$0x12];
	s18 =	spop (v2sf)  }
0x69: {  	[hbm4b:s15+s3] =	stream.linear.scatter [tilespmem:s18], [sflag:$0x1], $0xA800, $0x38;
	[tilespmem:$0xFC80] =	vst v63  }
0x6a: {  	s17 =	rddreg [dreg:$0x13];
	s19 =	spop (v2sf)  }
0x6b: {  	[hbm4b:s17+s3] =	stream.linear.scatter [tilespmem:s19], [sflag:$0x1], $0xA800, $0x38;
	[tilespmem:$0xFC80] =	vst v63  }
0x6c: {  	v63 =	vld [tilespmem:$0xFC10];
	_ =	sdelay $0x4  }
0x6d: {  	v0 =	vshll.u32 v63, $0x9  }
0x6e: {  	v0 =	vshra.s32 v0, $0x2  }
0x6f: {  	(v2sf) =	vpush v0, $0x0;
	_ =	sdelay $0x1  }
0x70: {  	(v2sf) =	vpush v0, $0x1;
	_ =	sdelay $0x1  }
0x71: {  	(v2sf) =	vpush v0, $0x2;
	_ =	sdelay $0x1  }
0x72: {  	(v2sf) =	vpush v0, $0x3;
	_ =	sdelay $0x1  }
0x73: {  	(v2sf) =	vpush v0, $0x4;
	_ =	sdelay $0x1  }
0x74: {  	(v2sf) =	vpush v0, $0x5;
	_ =	sdelay $0x1  }
0x75: {  	(v2sf) =	vpush v0, $0x6;
	_ =	sdelay $0x1  }
0x76: {  	s21 =	rddreg [dreg:$0x15];
	(v2sf) =	vpush v0, $0x7  }
0x77: {  	s20 =	rddreg [dreg:$0x14];
	s22 =	spop (v2sf)  }
0x78: {  	(v2sf) =	vpush v0, $0x8;
	[hbm4b:s20+s3] =	stream.linear.scatter [tilespmem:s22], [sflag:$0x1], $0xA800, $0x38;
	[tilespmem:$0xFC80] =	vst v63  }
0x79: {  	s23 =	rddreg [dreg:$0x16];
	s24 =	spop (v2sf)  }
0x7a: {  	(v2sf) =	vpush v0, $0x9;
	[hbm4b:s21+s3] =	stream.linear.scatter [tilespmem:s24], [sflag:$0x1], $0xA800, $0x38;
	[tilespmem:$0xFC80] =	vst v63  }
0x7b: {  	s25 =	rddreg [dreg:$0x17];
	s26 =	spop (v2sf)  }
0x7c: {  	(v2sf) =	vpush v0, $0xA;
	[hbm4b:s23+s3] =	stream.linear.scatter [tilespmem:s26], [sflag:$0x1], $0xA800, $0x38;
	[tilespmem:$0xFC80] =	vst v63  }
0x7d: {  	s28 =	rddreg [dreg:$0x18];
	s29 =	spop (v2sf)  }
0x7e: {  	(v2sf) =	vpush v0, $0xB;
	[hbm4b:s25+s3] =	stream.linear.scatter [tilespmem:s29], [sflag:$0x1], $0xA800, $0x38;
	[tilespmem:$0xFC80] =	vst v63  }
0x7f: {  	s30 =	rddreg [dreg:$0x19];
	s31 =	spop (v2sf)  }
0x80: {  	(v2sf) =	vpush v0, $0xC;
	[hbm4b:s28+s3] =	stream.linear.scatter [tilespmem:s31], [sflag:$0x1], $0xA800, $0x38;
	[tilespmem:$0xFC80] =	vst v63  }
0x81: {  	s10 =	rddreg [dreg:$0x1a];
	s11 =	spop (v2sf)  }
0x82: {  	(v2sf) =	vpush v0, $0xD;
	[hbm4b:s30+s3] =	stream.linear.scatter [tilespmem:s11], [sflag:$0x1], $0xA800, $0x38;
	[tilespmem:$0xFC80] =	vst v63  }
0x83: {  	s12 =	rddreg [dreg:$0x1b];
	s13 =	spop (v2sf)  }
0x84: {  	(v2sf) =	vpush v0, $0xE;
	[hbm4b:s10+s3] =	stream.linear.scatter [tilespmem:s13], [sflag:$0x1], $0xA800, $0x38;
	[tilespmem:$0xFC80] =	vst v63  }
0x85: {  	s14 =	rddreg [dreg:$0x1c];
	s15 =	spop (v2sf)  }
0x86: {  	(v2sf) =	vpush v0, $0xF;
	[hbm4b:s12+s3] =	stream.linear.scatter [tilespmem:s15], [sflag:$0x1], $0xA800, $0x38;
	[tilespmem:$0xFC80] =	vst v63  }
0x87: {  	s16 =	rddreg [dreg:$0x1d];
	s17 =	spop (v2sf)  }
0x88: {  	[hbm4b:s14+s3] =	stream.linear.scatter [tilespmem:s17], [sflag:$0x1], $0xA800, $0x38;
	[tilespmem:$0xFC80] =	vst v63  }
0x89: {  	s18 =	rddreg [dreg:$0x1e];
	s19 =	spop (v2sf)  }
0x8a: {  	[hbm4b:s16+s3] =	stream.linear.scatter [tilespmem:s19], [sflag:$0x1], $0xA800, $0x38;
	[tilespmem:$0xFC80] =	vst v63  }
0x8b: {  	s20 =	rddreg [dreg:$0x1f];
	s21 =	spop (v2sf)  }
0x8c: {  	[hbm4b:s18+s3] =	stream.linear.scatter [tilespmem:s21], [sflag:$0x1], $0xA800, $0x38;
	[tilespmem:$0xFC80] =	vst v63  }
0x8d: {  	s22 =	sld [smem:$0x7F7];
	s23 =	spop (v2sf)  }
0x8e: {  	[hbm4b:s20+s3] =	stream.linear.scatter [tilespmem:s23], [sflag:$0x1], $0xA800, $0x38;
	[tilespmem:$0xFC80] =	vst v63  }
0x8f: {  	s24 =	sld [smem:$0x7F8];
	s25 =	spop (v2sf)  }
0x90: {  	[hbm4b:s22+s3] =	stream.linear.scatter [tilespmem:s25], [sflag:$0x1], $0xA800, $0x38;
	[tilespmem:$0xFC80] =	vst v63  }
0x91: {  	s26 =	sld [smem:$0x7F9];
	s28 =	spop (v2sf)  }
0x92: {  	[hbm4b:s24+s3] =	stream.linear.scatter [tilespmem:s28], [sflag:$0x1], $0xA800, $0x38;
	[tilespmem:$0xFC80] =	vst v63  }
0x93: {  	s29 =	sld [smem:$0x7FA];
	s30 =	spop (v2sf)  }
0x94: {  	[hbm4b:s26+s3] =	stream.linear.scatter [tilespmem:s30], [sflag:$0x1], $0xA800, $0x38;
	[tilespmem:$0xFC80] =	vst v63  }
0x95: {  	s31 =	spop (v2sf)  }
0x96: {  	[hbm4b:s29+s3] =	stream.linear.scatter [tilespmem:s31], [sflag:$0x1], $0xA800, $0x38;
	[tilespmem:$0xFC80] =	vst v63  }
0x97: {  	_ =	swait.ge [sflag:s2], $0xA800  }
0x98: {  	[sflag:s2] =	ssyncset.done $0x0  }
0x99: {  	[sflag:s2] =	ssyncadd.s32 $0xFFFF5800  }
0x9a: {  	_ =	swait.ge [sflag:s2], $0xA800  }
0x9b: {  	[sflag:s2] =	ssyncset.done $0x0  }
0x9c: {  	[sflag:s2] =	ssyncadd.s32 $0xFFFF5800  }
0x9d: {  	_ =	swait.ge [sflag:s2], $0xA800  }
0x9e: {  	[sflag:s2] =	ssyncset.done $0x0  }
0x9f: {  	[sflag:s2] =	ssyncadd.s32 $0xFFFF5800  }
0xa0: {  	_ =	swait.ge [sflag:s2], $0xA800  }
0xa1: {  	[sflag:s2] =	ssyncset.done $0x0  }
0xa2: {  	[sflag:s2] =	ssyncadd.s32 $0xFFFF5800  }
0xa3: {  	_ =	swait.ge [sflag:s2], $0xA800  }
0xa4: {  	[sflag:s2] =	ssyncset.done $0x0  }
0xa5: {  	[sflag:s2] =	ssyncadd.s32 $0xFFFF5800  }
0xa6: {  	_ =	swait.ge [sflag:s2], $0xA800  }
0xa7: {  	[sflag:s2] =	ssyncset.done $0x0  }
0xa8: {  	[sflag:s2] =	ssyncadd.s32 $0xFFFF5800  }
0xa9: {  	_ =	swait.ge [sflag:s2], $0xA800  }
0xaa: {  	[sflag:s2] =	ssyncset.done $0x0  }
0xab: {  	[sflag:s2] =	ssyncadd.s32 $0xFFFF5800  }
0xac: {  	_ =	swait.ge [sflag:s2], $0xA800  }
0xad: {  	[sflag:s2] =	ssyncset.done $0x0  }
0xae: {  	[sflag:s2] =	ssyncadd.s32 $0xFFFF5800  }
0xaf: {  	_ =	swait.ge [sflag:s2], $0xA800  }
0xb0: {  	[sflag:s2] =	ssyncset.done $0x0  }
0xb1: {  	[sflag:s2] =	ssyncadd.s32 $0xFFFF5800  }
0xb2: {  	_ =	swait.ge [sflag:s2], $0xA800  }
0xb3: {  	[sflag:s2] =	ssyncset.done $0x0  }
0xb4: {  	[sflag:s2] =	ssyncadd.s32 $0xFFFF5800  }
0xb5: {  	_ =	swait.ge [sflag:s2], $0xA800  }
0xb6: {  	[sflag:s2] =	ssyncset.done $0x0  }
0xb7: {  	[sflag:s2] =	ssyncadd.s32 $0xFFFF5800  }
0xb8: {  	_ =	swait.ge [sflag:s2], $0xA800  }
0xb9: {  	[sflag:s2] =	ssyncset.done $0x0  }
0xba: {  	[sflag:s2] =	ssyncadd.s32 $0xFFFF5800  }
0xbb: {  	_ =	swait.ge [sflag:s2], $0xA800  }
0xbc: {  	[sflag:s2] =	ssyncset.done $0x0  }
0xbd: {  	[sflag:s2] =	ssyncadd.s32 $0xFFFF5800  }
0xbe: {  	_ =	swait.ge [sflag:s2], $0xA800  }
0xbf: {  	[sflag:s2] =	ssyncset.done $0x0  }
0xc0: {  	[sflag:s2] =	ssyncadd.s32 $0xFFFF5800  }
0xc1: {  	_ =	swait.ge [sflag:s2], $0xA800  }
0xc2: {  	[sflag:s2] =	ssyncset.done $0x0  }
0xc3: {  	[sflag:s2] =	ssyncadd.s32 $0xFFFF5800  }
0xc4: {  	_ =	swait.ge [sflag:s2], $0xA800  }
0xc5: {  	[sflag:s2] =	ssyncset.done $0x0  }
0xc6: {  	[sflag:s2] =	ssyncadd.s32 $0xFFFF5800  }
0xc7: {  	_ =	swait.ge [sflag:s2], $0xA800  }
0xc8: {  	[sflag:s2] =	ssyncset.done $0x0  }
0xc9: {  	[sflag:s2] =	ssyncadd.s32 $0xFFFF5800  }
0xca: {  	_ =	swait.ge [sflag:s2], $0xA800  }
0xcb: {  	[sflag:s2] =	ssyncset.done $0x0  }
0xcc: {  	[sflag:s2] =	ssyncadd.s32 $0xFFFF5800  }
0xcd: {  	_ =	swait.ge [sflag:s2], $0xA800  }
0xce: {  	[sflag:s2] =	ssyncset.done $0x0  }
0xcf: {  	[sflag:s2] =	ssyncadd.s32 $0xFFFF5800  }
0xd0: {  	_ =	swait.ge [sflag:s2], $0xA800  }
0xd1: {  	[sflag:s2] =	ssyncset.done $0x0  }
0xd2: {  	[sflag:s2] =	ssyncadd.s32 $0xFFFF5800  }
0xd3: {  	_ =	swait.ge [sflag:s2], $0xA800  }
0xd4: {  	[sflag:s2] =	ssyncset.done $0x0  }
0xd5: {  	[sflag:s2] =	ssyncadd.s32 $0xFFFF5800  }
0xd6: {  	_ =	swait.ge [sflag:s2], $0xA800  }
0xd7: {  	[sflag:s2] =	ssyncset.done $0x0  }
0xd8: {  	[sflag:s2] =	ssyncadd.s32 $0xFFFF5800  }
0xd9: {  	_ =	swait.ge [sflag:s2], $0xA800  }
0xda: {  	[sflag:s2] =	ssyncset.done $0x0  }
0xdb: {  	[sflag:s2] =	ssyncadd.s32 $0xFFFF5800  }
0xdc: {  	_ =	swait.ge [sflag:s2], $0xA800  }
0xdd: {  	[sflag:s2] =	ssyncset.done $0x0  }
0xde: {  	[sflag:s2] =	ssyncadd.s32 $0xFFFF5800  }
0xdf: {  	_ =	swait.ge [sflag:s2], $0xA800  }
0xe0: {  	[sflag:s2] =	ssyncset.done $0x0  }
0xe1: {  	[sflag:s2] =	ssyncadd.s32 $0xFFFF5800  }
0xe2: {  	_ =	swait.ge [sflag:s2], $0xA800  }
0xe3: {  	[sflag:s2] =	ssyncset.done $0x0  }
0xe4: {  	[sflag:s2] =	ssyncadd.s32 $0xFFFF5800  }
0xe5: {  	_ =	swait.ge [sflag:s2], $0xA800  }
0xe6: {  	[sflag:s2] =	ssyncset.done $0x0  }
0xe7: {  	[sflag:s2] =	ssyncadd.s32 $0xFFFF5800  }
0xe8: {  	_ =	swait.ge [sflag:s2], $0xA800  }
0xe9: {  	[sflag:s2] =	ssyncset.done $0x0  }
0xea: {  	[sflag:s2] =	ssyncadd.s32 $0xFFFF5800  }
0xeb: {  	_ =	swait.ge [sflag:s2], $0xA800  }
0xec: {  	[sflag:s2] =	ssyncset.done $0x0  }
0xed: {  	[sflag:s2] =	ssyncadd.s32 $0xFFFF5800  }
0xee: {  	_ =	swait.ge [sflag:s2], $0xA800  }
0xef: {  	[sflag:s2] =	ssyncset.done $0x0  }
0xf0: {  	p1 =	sne.s32 s6, $0x1;
	[sflag:s2] =	ssyncadd.s32 $0xFFFF5800  }
.Ltmp1:
0xf1: {  	_ =	swait.ge [sflag:s2], $0xA800;
	(pc) =	sbr.rel @!p1 .LBB2_3-.Ltmp1, $4  }
0xf2: {  	[sflag:s2] =	ssyncset.done $0x0  }
0xf3: {  	[sflag:s2] =	ssyncadd.s32 $0xFFFF5800  }
0xf4: {  	s6 =	sadd.s32 $0xFFFFFFFF, s6;
	_ =	swait.ge [sflag:s2], $0xA800  }
0xf5: {  	p0 =	por $0x1, $0x1;
	s7 =	sld [smem:$0x7FD];
	[sflag:s2] =	ssyncset.done $0x0  }
.LBB2_2:
0xf6: {  	s8 =	sld [smem:$0x7FB];
	[sflag:s2] =	ssyncadd.s32 $0xFFFF5800  }
0xf7: {  	[tilespmem:s3], [sflag:$0x1] =	stream.linear.gather [hbm4b:s5+s3], $0x5400, $0x38;
	[tilespmem:$0xFC80] =	vst v63  }
0xf8: {  	s9 =	sld [smem:$0x7FC]  }
0xf9: {  	[tilespmem:s8], [sflag:$0x1] =	stream.linear.gather [hbm4b:s5+s3], $0x5400, $0x38;
	[tilespmem:$0xFC80] =	vst v63  }
0xfa: {  	_ = 	snop  }
0xfb: {  	[tilespmem:s9], [sflag:$0x1] =	stream.linear.gather [hbm4b:s5+s3], $0x5400, $0x38;
	[tilespmem:$0xFC80] =	vst v63  }
0xfc: {  	s31 =	rddreg [dreg:$0x4]  }
0xfd: {  	[tilespmem:s7], [sflag:$0x1] =	stream.linear.gather [hbm4b:s31+s3], $0x20, $0x38;
	[tilespmem:$0xFC80] =	vst v63  }
0xfe: {  	_ =	swait.ge [sflag:s2], $0x5400  }
0xff: {  	[sflag:s2] =	ssyncset.done $0x0  }
0x100: {  	[sflag:s2] =	ssyncadd.s32 $0xFFFFAC00  }
0x101: {  	_ =	swait.ge [sflag:s2], $0x5400  }
0x102: {  	[sflag:s2] =	ssyncset.done $0x0  }
0x103: {  	[sflag:s2] =	ssyncadd.s32 $0xFFFFAC00  }
0x104: {  	_ =	swait.ge [sflag:s2], $0x5400  }
0x105: {  	[sflag:s2] =	ssyncset.done $0x0  }
0x106: {  	[sflag:s2] =	ssyncadd.s32 $0xFFFFAC00  }
0x107: {  	_ =	swait.ge [sflag:s2], $0x20  }
0x108: {  	[sflag:s2] =	ssyncset.done $0x0  }
0x109: {  	[sflag:s2] =	ssyncadd.s32 $0xFFFFFFE0  }
0x10a: {  	v0 =	vld [tilespmem:$0xFC00];
	_ =	sdelay $0x4  }
0x10b: {  	v0 =	vshll.u32 v0, $0x9  }
0x10c: {  	v0 =	vshra.s32 v0, $0x2  }
0x10d: {  	(v2sf) =	vpush v0, $0x0;
	_ =	sdelay $0x1  }
0x10e: {  	(v2sf) =	vpush v0, $0x1;
	_ =	sdelay $0x1  }
0x10f: {  	(v2sf) =	vpush v0, $0x2;
	_ =	sdelay $0x1  }
0x110: {  	(v2sf) =	vpush v0, $0x3;
	_ =	sdelay $0x1  }
0x111: {  	(v2sf) =	vpush v0, $0x4;
	_ =	sdelay $0x1  }
0x112: {  	(v2sf) =	vpush v0, $0x5;
	_ =	sdelay $0x1  }
0x113: {  	(v2sf) =	vpush v0, $0x6;
	_ =	sdelay $0x1  }
0x114: {  	(v2sf) =	vpush v0, $0x7  }
0x115: {  	s11 =	spop (v2sf)  }
0x116: {  	(v2sf) =	vpush v0, $0x8;
	[hbm4b:s4+s3] =	stream.linear.scatter [tilespmem:s11], [sflag:$0x1], $0xA800, $0x38;
	[tilespmem:$0xFC80] =	vst v63  }
0x117: {  	s10 =	rddreg [dreg:$0x5];
	s13 =	spop (v2sf)  }
0x118: {  	(v2sf) =	vpush v0, $0x9;
	[hbm4b:s10+s3] =	stream.linear.scatter [tilespmem:s13], [sflag:$0x1], $0xA800, $0x38;
	[tilespmem:$0xFC80] =	vst v63  }
0x119: {  	s12 =	rddreg [dreg:$0x6];
	s15 =	spop (v2sf)  }
0x11a: {  	(v2sf) =	vpush v0, $0xA;
	[hbm4b:s12+s3] =	stream.linear.scatter [tilespmem:s15], [sflag:$0x1], $0xA800, $0x38;
	[tilespmem:$0xFC80] =	vst v63  }
0x11b: {  	s14 =	rddreg [dreg:$0x7];
	s17 =	spop (v2sf)  }
0x11c: {  	(v2sf) =	vpush v0, $0xB;
	[hbm4b:s14+s3] =	stream.linear.scatter [tilespmem:s17], [sflag:$0x1], $0xA800, $0x38;
	[tilespmem:$0xFC80] =	vst v63  }
0x11d: {  	s16 =	rddreg [dreg:$0x8];
	s19 =	spop (v2sf)  }
0x11e: {  	(v2sf) =	vpush v0, $0xC;
	[hbm4b:s16+s3] =	stream.linear.scatter [tilespmem:s19], [sflag:$0x1], $0xA800, $0x38;
	[tilespmem:$0xFC80] =	vst v63  }
0x11f: {  	s18 =	rddreg [dreg:$0x9];
	s21 =	spop (v2sf)  }
0x120: {  	(v2sf) =	vpush v0, $0xD;
	[hbm4b:s18+s3] =	stream.linear.scatter [tilespmem:s21], [sflag:$0x1], $0xA800, $0x38;
	[tilespmem:$0xFC80] =	vst v63  }
0x121: {  	s20 =	rddreg [dreg:$0xa];
	s23 =	spop (v2sf)  }
0x122: {  	(v2sf) =	vpush v0, $0xE;
	[hbm4b:s20+s3] =	stream.linear.scatter [tilespmem:s23], [sflag:$0x1], $0xA800, $0x38;
	[tilespmem:$0xFC80] =	vst v63  }
0x123: {  	s22 =	rddreg [dreg:$0xb];
	s25 =	spop (v2sf)  }
0x124: {  	(v2sf) =	vpush v0, $0xF;
	[hbm4b:s22+s3] =	stream.linear.scatter [tilespmem:s25], [sflag:$0x1], $0xA800, $0x38;
	[tilespmem:$0xFC80] =	vst v63  }
0x125: {  	s24 =	rddreg [dreg:$0xc];
	s28 =	spop (v2sf)  }
0x126: {  	[hbm4b:s24+s3] =	stream.linear.scatter [tilespmem:s28], [sflag:$0x1], $0xA800, $0x38;
	[tilespmem:$0xFC80] =	vst v63  }
0x127: {  	s26 =	rddreg [dreg:$0xd];
	s30 =	spop (v2sf)  }
0x128: {  	[hbm4b:s26+s3] =	stream.linear.scatter [tilespmem:s30], [sflag:$0x1], $0xA800, $0x38;
	[tilespmem:$0xFC80] =	vst v63  }
0x129: {  	s29 =	rddreg [dreg:$0xe];
	s10 =	spop (v2sf)  }
0x12a: {  	[hbm4b:s29+s3] =	stream.linear.scatter [tilespmem:s10], [sflag:$0x1], $0xA800, $0x38;
	[tilespmem:$0xFC80] =	vst v63  }
0x12b: {  	s31 =	rddreg [dreg:$0xf];
	s12 =	spop (v2sf)  }
0x12c: {  	[hbm4b:s31+s3] =	stream.linear.scatter [tilespmem:s12], [sflag:$0x1], $0xA800, $0x38;
	[tilespmem:$0xFC80] =	vst v63  }
0x12d: {  	s11 =	rddreg [dreg:$0x10];
	s14 =	spop (v2sf)  }
0x12e: {  	[hbm4b:s11+s3] =	stream.linear.scatter [tilespmem:s14], [sflag:$0x1], $0xA800, $0x38;
	[tilespmem:$0xFC80] =	vst v63  }
0x12f: {  	s13 =	rddreg [dreg:$0x11];
	s16 =	spop (v2sf)  }
0x130: {  	[hbm4b:s13+s3] =	stream.linear.scatter [tilespmem:s16], [sflag:$0x1], $0xA800, $0x38;
	[tilespmem:$0xFC80] =	vst v63  }
0x131: {  	s15 =	rddreg [dreg:$0x12];
	s18 =	spop (v2sf)  }
0x132: {  	[hbm4b:s15+s3] =	stream.linear.scatter [tilespmem:s18], [sflag:$0x1], $0xA800, $0x38;
	[tilespmem:$0xFC80] =	vst v63  }
0x133: {  	s17 =	rddreg [dreg:$0x13];
	s19 =	spop (v2sf)  }
0x134: {  	[hbm4b:s17+s3] =	stream.linear.scatter [tilespmem:s19], [sflag:$0x1], $0xA800, $0x38;
	[tilespmem:$0xFC80] =	vst v63  }
0x135: {  	v63 =	vld [tilespmem:$0xFC10];
	_ =	sdelay $0x4  }
0x136: {  	v0 =	vshll.u32 v63, $0x9  }
0x137: {  	v0 =	vshra.s32 v0, $0x2  }
0x138: {  	(v2sf) =	vpush v0, $0x0;
	_ =	sdelay $0x1  }
0x139: {  	(v2sf) =	vpush v0, $0x1;
	_ =	sdelay $0x1  }
0x13a: {  	(v2sf) =	vpush v0, $0x2;
	_ =	sdelay $0x1  }
0x13b: {  	(v2sf) =	vpush v0, $0x3;
	_ =	sdelay $0x1  }
0x13c: {  	(v2sf) =	vpush v0, $0x4;
	_ =	sdelay $0x1  }
0x13d: {  	(v2sf) =	vpush v0, $0x5;
	_ =	sdelay $0x1  }
0x13e: {  	(v2sf) =	vpush v0, $0x6;
	_ =	sdelay $0x1  }
0x13f: {  	s21 =	rddreg [dreg:$0x15];
	(v2sf) =	vpush v0, $0x7  }
0x140: {  	s20 =	rddreg [dreg:$0x14];
	s22 =	spop (v2sf)  }
0x141: {  	(v2sf) =	vpush v0, $0x8;
	[hbm4b:s20+s3] =	stream.linear.scatter [tilespmem:s22], [sflag:$0x1], $0xA800, $0x38;
	[tilespmem:$0xFC80] =	vst v63  }
0x142: {  	s23 =	rddreg [dreg:$0x16];
	s24 =	spop (v2sf)  }
0x143: {  	(v2sf) =	vpush v0, $0x9;
	[hbm4b:s21+s3] =	stream.linear.scatter [tilespmem:s24], [sflag:$0x1], $0xA800, $0x38;
	[tilespmem:$0xFC80] =	vst v63  }
0x144: {  	s25 =	rddreg [dreg:$0x17];
	s26 =	spop (v2sf)  }
0x145: {  	(v2sf) =	vpush v0, $0xA;
	[hbm4b:s23+s3] =	stream.linear.scatter [tilespmem:s26], [sflag:$0x1], $0xA800, $0x38;
	[tilespmem:$0xFC80] =	vst v63  }
0x146: {  	s28 =	rddreg [dreg:$0x18];
	s29 =	spop (v2sf)  }
0x147: {  	(v2sf) =	vpush v0, $0xB;
	[hbm4b:s25+s3] =	stream.linear.scatter [tilespmem:s29], [sflag:$0x1], $0xA800, $0x38;
	[tilespmem:$0xFC80] =	vst v63  }
0x148: {  	s30 =	rddreg [dreg:$0x19];
	s31 =	spop (v2sf)  }
0x149: {  	(v2sf) =	vpush v0, $0xC;
	[hbm4b:s28+s3] =	stream.linear.scatter [tilespmem:s31], [sflag:$0x1], $0xA800, $0x38;
	[tilespmem:$0xFC80] =	vst v63  }
0x14a: {  	s10 =	rddreg [dreg:$0x1a];
	s11 =	spop (v2sf)  }
0x14b: {  	(v2sf) =	vpush v0, $0xD;
	[hbm4b:s30+s3] =	stream.linear.scatter [tilespmem:s11], [sflag:$0x1], $0xA800, $0x38;
	[tilespmem:$0xFC80] =	vst v63  }
0x14c: {  	s12 =	rddreg [dreg:$0x1b];
	s13 =	spop (v2sf)  }
0x14d: {  	(v2sf) =	vpush v0, $0xE;
	[hbm4b:s10+s3] =	stream.linear.scatter [tilespmem:s13], [sflag:$0x1], $0xA800, $0x38;
	[tilespmem:$0xFC80] =	vst v63  }
0x14e: {  	s14 =	rddreg [dreg:$0x1c];
	s15 =	spop (v2sf)  }
0x14f: {  	(v2sf) =	vpush v0, $0xF;
	[hbm4b:s12+s3] =	stream.linear.scatter [tilespmem:s15], [sflag:$0x1], $0xA800, $0x38;
	[tilespmem:$0xFC80] =	vst v63  }
0x150: {  	s16 =	rddreg [dreg:$0x1d];
	s17 =	spop (v2sf)  }
0x151: {  	[hbm4b:s14+s3] =	stream.linear.scatter [tilespmem:s17], [sflag:$0x1], $0xA800, $0x38;
	[tilespmem:$0xFC80] =	vst v63  }
0x152: {  	s18 =	rddreg [dreg:$0x1e];
	s19 =	spop (v2sf)  }
0x153: {  	[hbm4b:s16+s3] =	stream.linear.scatter [tilespmem:s19], [sflag:$0x1], $0xA800, $0x38;
	[tilespmem:$0xFC80] =	vst v63  }
0x154: {  	s20 =	rddreg [dreg:$0x1f];
	s21 =	spop (v2sf)  }
0x155: {  	[hbm4b:s18+s3] =	stream.linear.scatter [tilespmem:s21], [sflag:$0x1], $0xA800, $0x38;
	[tilespmem:$0xFC80] =	vst v63  }
0x156: {  	s22 =	sld [smem:$0x7F7];
	s23 =	spop (v2sf)  }
0x157: {  	[hbm4b:s20+s3] =	stream.linear.scatter [tilespmem:s23], [sflag:$0x1], $0xA800, $0x38;
	[tilespmem:$0xFC80] =	vst v63  }
0x158: {  	s24 =	sld [smem:$0x7F8];
	s25 =	spop (v2sf)  }
0x159: {  	[hbm4b:s22+s3] =	stream.linear.scatter [tilespmem:s25], [sflag:$0x1], $0xA800, $0x38;
	[tilespmem:$0xFC80] =	vst v63  }
0x15a: {  	s26 =	sld [smem:$0x7F9];
	s28 =	spop (v2sf)  }
0x15b: {  	[hbm4b:s24+s3] =	stream.linear.scatter [tilespmem:s28], [sflag:$0x1], $0xA800, $0x38;
	[tilespmem:$0xFC80] =	vst v63  }
0x15c: {  	s29 =	sld [smem:$0x7FA];
	s30 =	spop (v2sf)  }
0x15d: {  	[hbm4b:s26+s3] =	stream.linear.scatter [tilespmem:s30], [sflag:$0x1], $0xA800, $0x38;
	[tilespmem:$0xFC80] =	vst v63  }
0x15e: {  	s31 =	spop (v2sf)  }
0x15f: {  	[hbm4b:s29+s3] =	stream.linear.scatter [tilespmem:s31], [sflag:$0x1], $0xA800, $0x38;
	[tilespmem:$0xFC80] =	vst v63  }
0x160: {  	_ =	swait.ge [sflag:s2], $0xA800  }
0x161: {  	[sflag:s2] =	ssyncset.done $0x0  }
0x162: {  	[sflag:s2] =	ssyncadd.s32 $0xFFFF5800  }
0x163: {  	_ =	swait.ge [sflag:s2], $0xA800  }
0x164: {  	[sflag:s2] =	ssyncset.done $0x0  }
0x165: {  	[sflag:s2] =	ssyncadd.s32 $0xFFFF5800  }
0x166: {  	_ =	swait.ge [sflag:s2], $0xA800  }
0x167: {  	[sflag:s2] =	ssyncset.done $0x0  }
0x168: {  	[sflag:s2] =	ssyncadd.s32 $0xFFFF5800  }
0x169: {  	_ =	swait.ge [sflag:s2], $0xA800  }
0x16a: {  	[sflag:s2] =	ssyncset.done $0x0  }
0x16b: {  	[sflag:s2] =	ssyncadd.s32 $0xFFFF5800  }
0x16c: {  	_ =	swait.ge [sflag:s2], $0xA800  }
0x16d: {  	[sflag:s2] =	ssyncset.done $0x0  }
0x16e: {  	[sflag:s2] =	ssyncadd.s32 $0xFFFF5800  }
0x16f: {  	_ =	swait.ge [sflag:s2], $0xA800  }
0x170: {  	[sflag:s2] =	ssyncset.done $0x0  }
0x171: {  	[sflag:s2] =	ssyncadd.s32 $0xFFFF5800  }
0x172: {  	_ =	swait.ge [sflag:s2], $0xA800  }
0x173: {  	[sflag:s2] =	ssyncset.done $0x0  }
0x174: {  	[sflag:s2] =	ssyncadd.s32 $0xFFFF5800  }
0x175: {  	_ =	swait.ge [sflag:s2], $0xA800  }
0x176: {  	[sflag:s2] =	ssyncset.done $0x0  }
0x177: {  	[sflag:s2] =	ssyncadd.s32 $0xFFFF5800  }
0x178: {  	_ =	swait.ge [sflag:s2], $0xA800  }
0x179: {  	[sflag:s2] =	ssyncset.done $0x0  }
0x17a: {  	[sflag:s2] =	ssyncadd.s32 $0xFFFF5800  }
0x17b: {  	_ =	swait.ge [sflag:s2], $0xA800  }
0x17c: {  	[sflag:s2] =	ssyncset.done $0x0  }
0x17d: {  	[sflag:s2] =	ssyncadd.s32 $0xFFFF5800  }
0x17e: {  	_ =	swait.ge [sflag:s2], $0xA800  }
0x17f: {  	[sflag:s2] =	ssyncset.done $0x0  }
0x180: {  	[sflag:s2] =	ssyncadd.s32 $0xFFFF5800  }
0x181: {  	_ =	swait.ge [sflag:s2], $0xA800  }
0x182: {  	[sflag:s2] =	ssyncset.done $0x0  }
0x183: {  	[sflag:s2] =	ssyncadd.s32 $0xFFFF5800  }
0x184: {  	_ =	swait.ge [sflag:s2], $0xA800  }
0x185: {  	[sflag:s2] =	ssyncset.done $0x0  }
0x186: {  	[sflag:s2] =	ssyncadd.s32 $0xFFFF5800  }
0x187: {  	_ =	swait.ge [sflag:s2], $0xA800  }
0x188: {  	[sflag:s2] =	ssyncset.done $0x0  }
0x189: {  	[sflag:s2] =	ssyncadd.s32 $0xFFFF5800  }
0x18a: {  	_ =	swait.ge [sflag:s2], $0xA800  }
0x18b: {  	[sflag:s2] =	ssyncset.done $0x0  }
0x18c: {  	[sflag:s2] =	ssyncadd.s32 $0xFFFF5800  }
0x18d: {  	_ =	swait.ge [sflag:s2], $0xA800  }
0x18e: {  	[sflag:s2] =	ssyncset.done $0x0  }
0x18f: {  	[sflag:s2] =	ssyncadd.s32 $0xFFFF5800  }
0x190: {  	_ =	swait.ge [sflag:s2], $0xA800  }
0x191: {  	[sflag:s2] =	ssyncset.done $0x0  }
0x192: {  	[sflag:s2] =	ssyncadd.s32 $0xFFFF5800  }
0x193: {  	_ =	swait.ge [sflag:s2], $0xA800  }
0x194: {  	[sflag:s2] =	ssyncset.done $0x0  }
0x195: {  	[sflag:s2] =	ssyncadd.s32 $0xFFFF5800  }
0x196: {  	_ =	swait.ge [sflag:s2], $0xA800  }
0x197: {  	[sflag:s2] =	ssyncset.done $0x0  }
0x198: {  	[sflag:s2] =	ssyncadd.s32 $0xFFFF5800  }
0x199: {  	_ =	swait.ge [sflag:s2], $0xA800  }
0x19a: {  	[sflag:s2] =	ssyncset.done $0x0  }
0x19b: {  	[sflag:s2] =	ssyncadd.s32 $0xFFFF5800  }
0x19c: {  	_ =	swait.ge [sflag:s2], $0xA800  }
0x19d: {  	[sflag:s2] =	ssyncset.done $0x0  }
0x19e: {  	[sflag:s2] =	ssyncadd.s32 $0xFFFF5800  }
0x19f: {  	_ =	swait.ge [sflag:s2], $0xA800  }
0x1a0: {  	[sflag:s2] =	ssyncset.done $0x0  }
0x1a1: {  	[sflag:s2] =	ssyncadd.s32 $0xFFFF5800  }
0x1a2: {  	_ =	swait.ge [sflag:s2], $0xA800  }
0x1a3: {  	[sflag:s2] =	ssyncset.done $0x0  }
0x1a4: {  	[sflag:s2] =	ssyncadd.s32 $0xFFFF5800  }
0x1a5: {  	_ =	swait.ge [sflag:s2], $0xA800  }
0x1a6: {  	[sflag:s2] =	ssyncset.done $0x0  }
0x1a7: {  	[sflag:s2] =	ssyncadd.s32 $0xFFFF5800  }
0x1a8: {  	_ =	swait.ge [sflag:s2], $0xA800  }
0x1a9: {  	[sflag:s2] =	ssyncset.done $0x0  }
0x1aa: {  	[sflag:s2] =	ssyncadd.s32 $0xFFFF5800  }
0x1ab: {  	_ =	swait.ge [sflag:s2], $0xA800  }
0x1ac: {  	[sflag:s2] =	ssyncset.done $0x0  }
0x1ad: {  	[sflag:s2] =	ssyncadd.s32 $0xFFFF5800  }
0x1ae: {  	_ =	swait.ge [sflag:s2], $0xA800  }
0x1af: {  	[sflag:s2] =	ssyncset.done $0x0  }
0x1b0: {  	[sflag:s2] =	ssyncadd.s32 $0xFFFF5800  }
0x1b1: {  	_ =	swait.ge [sflag:s2], $0xA800  }
0x1b2: {  	[sflag:s2] =	ssyncset.done $0x0  }
0x1b3: {  	[sflag:s2] =	ssyncadd.s32 $0xFFFF5800  }
0x1b4: {  	_ =	swait.ge [sflag:s2], $0xA800  }
0x1b5: {  	[sflag:s2] =	ssyncset.done $0x0  }
0x1b6: {  	[sflag:s2] =	ssyncadd.s32 $0xFFFF5800  }
0x1b7: {  	_ =	swait.ge [sflag:s2], $0xA800  }
0x1b8: {  	[sflag:s2] =	ssyncset.done $0x0  }
0x1b9: {  	p1 =	sne.s32 s6, $0x1;
	[sflag:s2] =	ssyncadd.s32 $0xFFFF5800  }
.Ltmp2:
0x1ba: {  	_ =	swait.ge [sflag:s2], $0xA800;
	(pc) =	sbr.rel @p1 .LBB2_2-.Ltmp2, $4  }
0x1bb: {  	[sflag:s2] =	ssyncset.done $0x0  }
0x1bc: {  	[sflag:s2] =	ssyncadd.s32 $0xFFFF5800  }
0x1bd: {  	_ =	swait.ge [sflag:s2], $0xA800  }
0x1be: {  	s6 =	sadd.s32 $0xFFFFFFFF, s6;
	s7 =	sld [smem:$0x7FD];
	[sflag:s2] =	ssyncset.done $0x0  }
.LBB2_3:
0x1bf: {  	s6 =	sld [smem:$0x7FB];
	[sflag:s2] =	ssyncadd.s32 @p0 $0xFFFF5800  }
0x1c0: {  	[tilespmem:s3], [sflag:$0x1] =	stream.linear.gather [hbm4b:s5+s3], $0x5400, $0x38;
	[tilespmem:$0xFC80] =	vst v63  }
0x1c1: {  	s8 =	sld [smem:$0x7FC]  }
0x1c2: {  	[tilespmem:s6], [sflag:$0x1] =	stream.linear.gather [hbm4b:s5+s3], $0x5400, $0x38;
	[tilespmem:$0xFC80] =	vst v63  }
0x1c3: {  	_ = 	snop  }
0x1c4: {  	[tilespmem:s8], [sflag:$0x1] =	stream.linear.gather [hbm4b:s5+s3], $0x5400, $0x38;
	[tilespmem:$0xFC80] =	vst v63  }
0x1c5: {  	s15 =	rddreg [dreg:$0x4]  }
0x1c6: {  	[tilespmem:s7], [sflag:$0x1] =	stream.linear.gather [hbm4b:s15+s3], $0x20, $0x38;
	[tilespmem:$0xFC80] =	vst v63  }
0x1c7: {  	_ =	swait.ge [sflag:s2], $0x5400  }
0x1c8: {  	[sflag:s2] =	ssyncset.done $0x0  }
0x1c9: {  	[sflag:s2] =	ssyncadd.s32 $0xFFFFAC00  }
0x1ca: {  	_ =	swait.ge [sflag:s2], $0x5400  }
0x1cb: {  	[sflag:s2] =	ssyncset.done $0x0  }
0x1cc: {  	[sflag:s2] =	ssyncadd.s32 $0xFFFFAC00  }
0x1cd: {  	_ =	swait.ge [sflag:s2], $0x5400  }
0x1ce: {  	[sflag:s2] =	ssyncset.done $0x0  }
0x1cf: {  	[sflag:s2] =	ssyncadd.s32 $0xFFFFAC00  }
0x1d0: {  	_ =	swait.ge [sflag:s2], $0x20  }
0x1d1: {  	[sflag:s2] =	ssyncset.done $0x0  }
0x1d2: {  	[sflag:s2] =	ssyncadd.s32 $0xFFFFFFE0  }
0x1d3: {  	v0 =	vld [tilespmem:$0xFC00];
	_ =	sdelay $0x4  }
0x1d4: {  	v0 =	vshll.u32 v0, $0x9  }
0x1d5: {  	v0 =	vshra.s32 v0, $0x2  }
0x1d6: {  	(v2sf) =	vpush v0, $0x0;
	_ =	sdelay $0x1  }
0x1d7: {  	(v2sf) =	vpush v0, $0x1;
	_ =	sdelay $0x1  }
0x1d8: {  	(v2sf) =	vpush v0, $0x2;
	_ =	sdelay $0x1  }
0x1d9: {  	(v2sf) =	vpush v0, $0x3;
	_ =	sdelay $0x1  }
0x1da: {  	(v2sf) =	vpush v0, $0x4;
	_ =	sdelay $0x1  }
0x1db: {  	(v2sf) =	vpush v0, $0x5;
	_ =	sdelay $0x1  }
0x1dc: {  	(v2sf) =	vpush v0, $0x6;
	_ =	sdelay $0x1  }
0x1dd: {  	(v2sf) =	vpush v0, $0x7  }
0x1de: {  	s17 =	spop (v2sf)  }
0x1df: {  	(v2sf) =	vpush v0, $0x8;
	[hbm4b:s4+s3] =	stream.linear.scatter [tilespmem:s17], [sflag:$0x1], $0xA800, $0x38;
	[tilespmem:$0xFC80] =	vst v63  }
0x1e0: {  	s16 =	rddreg [dreg:$0x5];
	s19 =	spop (v2sf)  }
0x1e1: {  	(v2sf) =	vpush v0, $0x9;
	[hbm4b:s16+s3] =	stream.linear.scatter [tilespmem:s19], [sflag:$0x1], $0xA800, $0x38;
	[tilespmem:$0xFC80] =	vst v63  }
0x1e2: {  	s18 =	rddreg [dreg:$0x6];
	s21 =	spop (v2sf)  }
0x1e3: {  	(v2sf) =	vpush v0, $0xA;
	[hbm4b:s18+s3] =	stream.linear.scatter [tilespmem:s21], [sflag:$0x1], $0xA800, $0x38;
	[tilespmem:$0xFC80] =	vst v63  }
0x1e4: {  	s20 =	rddreg [dreg:$0x7];
	s23 =	spop (v2sf)  }
0x1e5: {  	(v2sf) =	vpush v0, $0xB;
	[hbm4b:s20+s3] =	stream.linear.scatter [tilespmem:s23], [sflag:$0x1], $0xA800, $0x38;
	[tilespmem:$0xFC80] =	vst v63  }
0x1e6: {  	s22 =	rddreg [dreg:$0x8];
	s25 =	spop (v2sf)  }
0x1e7: {  	(v2sf) =	vpush v0, $0xC;
	[hbm4b:s22+s3] =	stream.linear.scatter [tilespmem:s25], [sflag:$0x1], $0xA800, $0x38;
	[tilespmem:$0xFC80] =	vst v63  }
0x1e8: {  	s24 =	rddreg [dreg:$0x9];
	s28 =	spop (v2sf)  }
0x1e9: {  	(v2sf) =	vpush v0, $0xD;
	[hbm4b:s24+s3] =	stream.linear.scatter [tilespmem:s28], [sflag:$0x1], $0xA800, $0x38;
	[tilespmem:$0xFC80] =	vst v63  }
0x1ea: {  	s26 =	rddreg [dreg:$0xa];
	s30 =	spop (v2sf)  }
0x1eb: {  	(v2sf) =	vpush v0, $0xE;
	[hbm4b:s26+s3] =	stream.linear.scatter [tilespmem:s30], [sflag:$0x1], $0xA800, $0x38;
	[tilespmem:$0xFC80] =	vst v63  }
0x1ec: {  	s29 =	rddreg [dreg:$0xb];
	s7 =	spop (v2sf)  }
0x1ed: {  	(v2sf) =	vpush v0, $0xF;
	[hbm4b:s29+s3] =	stream.linear.scatter [tilespmem:s7], [sflag:$0x1], $0xA800, $0x38;
	[tilespmem:$0xFC80] =	vst v63  }
0x1ee: {  	s31 =	rddreg [dreg:$0xc];
	s9 =	spop (v2sf)  }
0x1ef: {  	[hbm4b:s31+s3] =	stream.linear.scatter [tilespmem:s9], [sflag:$0x1], $0xA800, $0x38;
	[tilespmem:$0xFC80] =	vst v63  }
0x1f0: {  	s8 =	rddreg [dreg:$0xd];
	s11 =	spop (v2sf)  }
0x1f1: {  	[hbm4b:s8+s3] =	stream.linear.scatter [tilespmem:s11], [sflag:$0x1], $0xA800, $0x38;
	[tilespmem:$0xFC80] =	vst v63  }
0x1f2: {  	s10 =	rddreg [dreg:$0xe];
	s13 =	spop (v2sf)  }
0x1f3: {  	[hbm4b:s10+s3] =	stream.linear.scatter [tilespmem:s13], [sflag:$0x1], $0xA800, $0x38;
	[tilespmem:$0xFC80] =	vst v63  }
0x1f4: {  	s12 =	rddreg [dreg:$0xf];
	s15 =	spop (v2sf)  }
0x1f5: {  	[hbm4b:s12+s3] =	stream.linear.scatter [tilespmem:s15], [sflag:$0x1], $0xA800, $0x38;
	[tilespmem:$0xFC80] =	vst v63  }
0x1f6: {  	s14 =	rddreg [dreg:$0x10];
	s17 =	spop (v2sf)  }
0x1f7: {  	[hbm4b:s14+s3] =	stream.linear.scatter [tilespmem:s17], [sflag:$0x1], $0xA800, $0x38;
	[tilespmem:$0xFC80] =	vst v63  }
0x1f8: {  	s16 =	rddreg [dreg:$0x11];
	s19 =	spop (v2sf)  }
0x1f9: {  	[hbm4b:s16+s3] =	stream.linear.scatter [tilespmem:s19], [sflag:$0x1], $0xA800, $0x38;
	[tilespmem:$0xFC80] =	vst v63  }
0x1fa: {  	s18 =	rddreg [dreg:$0x12];
	s21 =	spop (v2sf)  }
0x1fb: {  	[hbm4b:s18+s3] =	stream.linear.scatter [tilespmem:s21], [sflag:$0x1], $0xA800, $0x38;
	[tilespmem:$0xFC80] =	vst v63  }
0x1fc: {  	s20 =	rddreg [dreg:$0x13];
	s22 =	spop (v2sf)  }
0x1fd: {  	[hbm4b:s20+s3] =	stream.linear.scatter [tilespmem:s22], [sflag:$0x1], $0xA800, $0x38;
	[tilespmem:$0xFC80] =	vst v63  }
0x1fe: {  	v63 =	vld [tilespmem:$0xFC10];
	_ =	sdelay $0x4  }
0x1ff: {  	v0 =	vshll.u32 v63, $0x9  }
0x200: {  	v0 =	vshra.s32 v0, $0x2  }
0x201: {  	(v2sf) =	vpush v0, $0x0;
	_ =	sdelay $0x1  }
0x202: {  	(v2sf) =	vpush v0, $0x1;
	_ =	sdelay $0x1  }
0x203: {  	(v2sf) =	vpush v0, $0x2;
	_ =	sdelay $0x1  }
0x204: {  	(v2sf) =	vpush v0, $0x3;
	_ =	sdelay $0x1  }
0x205: {  	(v2sf) =	vpush v0, $0x4;
	_ =	sdelay $0x1  }
0x206: {  	(v2sf) =	vpush v0, $0x5;
	_ =	sdelay $0x1  }
0x207: {  	(v2sf) =	vpush v0, $0x6;
	_ =	sdelay $0x1  }
0x208: {  	s23 =	rddreg [dreg:$0x14];
	(v2sf) =	vpush v0, $0x7  }
0x209: {  	s24 =	rddreg [dreg:$0x15];
	s25 =	spop (v2sf)  }
0x20a: {  	(v2sf) =	vpush v0, $0x8;
	[hbm4b:s23+s3] =	stream.linear.scatter [tilespmem:s25], [sflag:$0x1], $0xA800, $0x38;
	[tilespmem:$0xFC80] =	vst v63  }
0x20b: {  	s26 =	rddreg [dreg:$0x16];
	s28 =	spop (v2sf)  }
0x20c: {  	(v2sf) =	vpush v0, $0x9;
	[hbm4b:s24+s3] =	stream.linear.scatter [tilespmem:s28], [sflag:$0x1], $0xA800, $0x38;
	[tilespmem:$0xFC80] =	vst v63  }
0x20d: {  	s29 =	rddreg [dreg:$0x17];
	s30 =	spop (v2sf)  }
0x20e: {  	(v2sf) =	vpush v0, $0xA;
	[hbm4b:s26+s3] =	stream.linear.scatter [tilespmem:s30], [sflag:$0x1], $0xA800, $0x38;
	[tilespmem:$0xFC80] =	vst v63  }
0x20f: {  	s31 =	rddreg [dreg:$0x18];
	s7 =	spop (v2sf)  }
0x210: {  	(v2sf) =	vpush v0, $0xB;
	[hbm4b:s29+s3] =	stream.linear.scatter [tilespmem:s7], [sflag:$0x1], $0xA800, $0x38;
	[tilespmem:$0xFC80] =	vst v63  }
0x211: {  	s8 =	rddreg [dreg:$0x19];
	s9 =	spop (v2sf)  }
0x212: {  	(v2sf) =	vpush v0, $0xC;
	[hbm4b:s31+s3] =	stream.linear.scatter [tilespmem:s9], [sflag:$0x1], $0xA800, $0x38;
	[tilespmem:$0xFC80] =	vst v63  }
0x213: {  	s10 =	rddreg [dreg:$0x1a];
	s11 =	spop (v2sf)  }
0x214: {  	(v2sf) =	vpush v0, $0xD;
	[hbm4b:s8+s3] =	stream.linear.scatter [tilespmem:s11], [sflag:$0x1], $0xA800, $0x38;
	[tilespmem:$0xFC80] =	vst v63  }
0x215: {  	s12 =	rddreg [dreg:$0x1b];
	s13 =	spop (v2sf)  }
0x216: {  	(v2sf) =	vpush v0, $0xE;
	[hbm4b:s10+s3] =	stream.linear.scatter [tilespmem:s13], [sflag:$0x1], $0xA800, $0x38;
	[tilespmem:$0xFC80] =	vst v63  }
0x217: {  	s14 =	rddreg [dreg:$0x1c];
	s15 =	spop (v2sf)  }
0x218: {  	(v2sf) =	vpush v0, $0xF;
	[hbm4b:s12+s3] =	stream.linear.scatter [tilespmem:s15], [sflag:$0x1], $0xA800, $0x38;
	[tilespmem:$0xFC80] =	vst v63  }
0x219: {  	s16 =	rddreg [dreg:$0x1d];
	s17 =	spop (v2sf)  }
0x21a: {  	[hbm4b:s14+s3] =	stream.linear.scatter [tilespmem:s17], [sflag:$0x1], $0xA800, $0x38;
	[tilespmem:$0xFC80] =	vst v63  }
0x21b: {  	s18 =	rddreg [dreg:$0x1e];
	s19 =	spop (v2sf)  }
0x21c: {  	[hbm4b:s16+s3] =	stream.linear.scatter [tilespmem:s19], [sflag:$0x1], $0xA800, $0x38;
	[tilespmem:$0xFC80] =	vst v63  }
0x21d: {  	s20 =	rddreg [dreg:$0x1f];
	s21 =	spop (v2sf)  }
0x21e: {  	[hbm4b:s18+s3] =	stream.linear.scatter [tilespmem:s21], [sflag:$0x1], $0xA800, $0x38;
	[tilespmem:$0xFC80] =	vst v63  }
0x21f: {  	s22 =	sld [smem:$0x7F7];
	s23 =	spop (v2sf)  }
0x220: {  	[hbm4b:s20+s3] =	stream.linear.scatter [tilespmem:s23], [sflag:$0x1], $0xA800, $0x38;
	[tilespmem:$0xFC80] =	vst v63  }
0x221: {  	s24 =	sld [smem:$0x7F8];
	s25 =	spop (v2sf)  }
0x222: {  	[hbm4b:s22+s3] =	stream.linear.scatter [tilespmem:s25], [sflag:$0x1], $0xA800, $0x38;
	[tilespmem:$0xFC80] =	vst v63  }
0x223: {  	s26 =	sld [smem:$0x7F9];
	s28 =	spop (v2sf)  }
0x224: {  	[hbm4b:s24+s3] =	stream.linear.scatter [tilespmem:s28], [sflag:$0x1], $0xA800, $0x38;
	[tilespmem:$0xFC80] =	vst v63  }
0x225: {  	s29 =	sld [smem:$0x7FA];
	s30 =	spop (v2sf)  }
0x226: {  	[hbm4b:s26+s3] =	stream.linear.scatter [tilespmem:s30], [sflag:$0x1], $0xA800, $0x38;
	[tilespmem:$0xFC80] =	vst v63  }
0x227: {  	s31 =	spop (v2sf)  }
0x228: {  	[hbm4b:s29+s3] =	stream.linear.scatter [tilespmem:s31], [sflag:$0x1], $0xA800, $0x38;
	[tilespmem:$0xFC80] =	vst v63  }
0x229: {  	_ =	swait.ge [sflag:s2], $0xA800  }
0x22a: {  	[sflag:s2] =	ssyncset.done $0x0  }
0x22b: {  	[sflag:s2] =	ssyncadd.s32 $0xFFFF5800  }
0x22c: {  	_ =	swait.ge [sflag:s2], $0xA800  }
0x22d: {  	[sflag:s2] =	ssyncset.done $0x0  }
0x22e: {  	[sflag:s2] =	ssyncadd.s32 $0xFFFF5800  }
0x22f: {  	_ =	swait.ge [sflag:s2], $0xA800  }
0x230: {  	[sflag:s2] =	ssyncset.done $0x0  }
0x231: {  	[sflag:s2] =	ssyncadd.s32 $0xFFFF5800  }
0x232: {  	_ =	swait.ge [sflag:s2], $0xA800  }
0x233: {  	[sflag:s2] =	ssyncset.done $0x0  }
0x234: {  	[sflag:s2] =	ssyncadd.s32 $0xFFFF5800  }
0x235: {  	_ =	swait.ge [sflag:s2], $0xA800  }
0x236: {  	[sflag:s2] =	ssyncset.done $0x0  }
0x237: {  	[sflag:s2] =	ssyncadd.s32 $0xFFFF5800  }
0x238: {  	_ =	swait.ge [sflag:s2], $0xA800  }
0x239: {  	[sflag:s2] =	ssyncset.done $0x0  }
0x23a: {  	[sflag:s2] =	ssyncadd.s32 $0xFFFF5800  }
0x23b: {  	_ =	swait.ge [sflag:s2], $0xA800  }
0x23c: {  	[sflag:s2] =	ssyncset.done $0x0  }
0x23d: {  	[sflag:s2] =	ssyncadd.s32 $0xFFFF5800  }
0x23e: {  	_ =	swait.ge [sflag:s2], $0xA800  }
0x23f: {  	[sflag:s2] =	ssyncset.done $0x0  }
0x240: {  	[sflag:s2] =	ssyncadd.s32 $0xFFFF5800  }
0x241: {  	_ =	swait.ge [sflag:s2], $0xA800  }
0x242: {  	[sflag:s2] =	ssyncset.done $0x0  }
0x243: {  	[sflag:s2] =	ssyncadd.s32 $0xFFFF5800  }
0x244: {  	_ =	swait.ge [sflag:s2], $0xA800  }
0x245: {  	[sflag:s2] =	ssyncset.done $0x0  }
0x246: {  	[sflag:s2] =	ssyncadd.s32 $0xFFFF5800  }
0x247: {  	_ =	swait.ge [sflag:s2], $0xA800  }
0x248: {  	[sflag:s2] =	ssyncset.done $0x0  }
0x249: {  	[sflag:s2] =	ssyncadd.s32 $0xFFFF5800  }
0x24a: {  	_ =	swait.ge [sflag:s2], $0xA800  }
0x24b: {  	[sflag:s2] =	ssyncset.done $0x0  }
0x24c: {  	[sflag:s2] =	ssyncadd.s32 $0xFFFF5800  }
0x24d: {  	_ =	swait.ge [sflag:s2], $0xA800  }
0x24e: {  	[sflag:s2] =	ssyncset.done $0x0  }
0x24f: {  	[sflag:s2] =	ssyncadd.s32 $0xFFFF5800  }
0x250: {  	_ =	swait.ge [sflag:s2], $0xA800  }
0x251: {  	[sflag:s2] =	ssyncset.done $0x0  }
0x252: {  	[sflag:s2] =	ssyncadd.s32 $0xFFFF5800  }
0x253: {  	_ =	swait.ge [sflag:s2], $0xA800  }
0x254: {  	[sflag:s2] =	ssyncset.done $0x0  }
0x255: {  	[sflag:s2] =	ssyncadd.s32 $0xFFFF5800  }
0x256: {  	_ =	swait.ge [sflag:s2], $0xA800  }
0x257: {  	[sflag:s2] =	ssyncset.done $0x0  }
0x258: {  	[sflag:s2] =	ssyncadd.s32 $0xFFFF5800  }
0x259: {  	_ =	swait.ge [sflag:s2], $0xA800  }
0x25a: {  	[sflag:s2] =	ssyncset.done $0x0  }
0x25b: {  	[sflag:s2] =	ssyncadd.s32 $0xFFFF5800  }
0x25c: {  	_ =	swait.ge [sflag:s2], $0xA800  }
0x25d: {  	[sflag:s2] =	ssyncset.done $0x0  }
0x25e: {  	[sflag:s2] =	ssyncadd.s32 $0xFFFF5800  }
0x25f: {  	_ =	swait.ge [sflag:s2], $0xA800  }
0x260: {  	[sflag:s2] =	ssyncset.done $0x0  }
0x261: {  	[sflag:s2] =	ssyncadd.s32 $0xFFFF5800  }
0x262: {  	_ =	swait.ge [sflag:s2], $0xA800  }
0x263: {  	[sflag:s2] =	ssyncset.done $0x0  }
0x264: {  	[sflag:s2] =	ssyncadd.s32 $0xFFFF5800  }
0x265: {  	_ =	swait.ge [sflag:s2], $0xA800  }
0x266: {  	[sflag:s2] =	ssyncset.done $0x0  }
0x267: {  	[sflag:s2] =	ssyncadd.s32 $0xFFFF5800  }
0x268: {  	_ =	swait.ge [sflag:s2], $0xA800  }
0x269: {  	[sflag:s2] =	ssyncset.done $0x0  }
0x26a: {  	[sflag:s2] =	ssyncadd.s32 $0xFFFF5800  }
0x26b: {  	_ =	swait.ge [sflag:s2], $0xA800  }
0x26c: {  	[sflag:s2] =	ssyncset.done $0x0  }
0x26d: {  	[sflag:s2] =	ssyncadd.s32 $0xFFFF5800  }
0x26e: {  	_ =	swait.ge [sflag:s2], $0xA800  }
0x26f: {  	[sflag:s2] =	ssyncset.done $0x0  }
0x270: {  	[sflag:s2] =	ssyncadd.s32 $0xFFFF5800  }
0x271: {  	_ =	swait.ge [sflag:s2], $0xA800  }
0x272: {  	[sflag:s2] =	ssyncset.done $0x0  }
0x273: {  	[sflag:s2] =	ssyncadd.s32 $0xFFFF5800  }
0x274: {  	_ =	swait.ge [sflag:s2], $0xA800  }
0x275: {  	[sflag:s2] =	ssyncset.done $0x0  }
0x276: {  	[sflag:s2] =	ssyncadd.s32 $0xFFFF5800  }
0x277: {  	_ =	swait.ge [sflag:s2], $0xA800  }
0x278: {  	[sflag:s2] =	ssyncset.done $0x0  }
0x279: {  	[sflag:s2] =	ssyncadd.s32 $0xFFFF5800  }
0x27a: {  	_ =	swait.ge [sflag:s2], $0xA800  }
0x27b: {  	[sflag:s2] =	ssyncset.done $0x0  }
0x27c: {  	[sflag:s2] =	ssyncadd.s32 $0xFFFF5800  }
0x27d: {  	_ =	swait.ge [sflag:s2], $0xA800  }
0x27e: {  	[sflag:s2] =	ssyncset.done $0x0  }
0x27f: {  	[sflag:s2] =	ssyncadd.s32 $0xFFFF5800  }
0x280: {  	_ =	swait.ge [sflag:s2], $0xA800  }
0x281: {  	[sflag:s2] =	ssyncset.done $0x0  }
0x282: {  	[sflag:s2] =	ssyncadd.s32 $0xFFFF5800  }
0x283: {  	_ =	swait.ge [sflag:s2], $0xA800  }
0x284: {  	[sflag:s2] =	ssyncset.done $0x0  }
0x285: {  	[sflag:s2] =	ssyncadd.s32 $0xFFFF5800  }
0x286: {  	_ =	swait.ge [sflag:s2], $0xA800  }
0x287: {  	[sflag:s2] =	ssyncset.done $0x0  }
0x288: {  	[sflag:s2] =	ssyncadd.s32 $0xFFFF5800  }
0x289: {  	_ =	sfence.sel $0x180000  }
0x28a: {  	[bflag:$0x0] =	sbarrier.arrive $0xFFFF  }
0x28b: {  	p0 =	sne.s32 s0, $0x0;
	_ =	strace $0x90000047  }
0x28c: {  	s0 =	sadd.s32 @!p0 $0x100000, s1;
	[bflag:$0x2] =	sbarrier.arrive $0xFFFF  }
0x28d: {  	[sflag:s0] =	ssyncadd.tile.s32 @!p0 $0x1;
	_ =	shalt  }
.Lfunc_end2:
_tile_overlayer_lowered:
.L_overlay_start_2:
0x28e: {  	(tag) =	ssettag $0x2  }
0x28f: {  	s0 =	rddreg [dreg:$0x0];
	s2 =	stileid.u32  }
0x290: {  	s1 =	rddreg [dreg:$0x1];
	p0 =	sne.s32 s2, $0x0  }
0x291: {  	s3 =	rddreg [dreg:$0x2];
	[bflag:$0x3] =	sbarrier.arrive $0xFFFF;
	s2 =	simm.s32 @!p0 $0x1C02  }
0x292: {  	[timem:s3], [sflag:s2] =	dma.local @!p0 [hbm:s0], s1  }
0x293: {  	s0 =	simm.s32 @!p0 $0x2  }
0x294: {  	_ =	swait.ge @!p0 [sflag:s0], s1  }
0x295: {  	s1 =	ssub.s32 @!p0 $0x0, s1;
	[sflag:s0] =	ssyncset.done @!p0 $0x0  }
0x296: {  	[sflag:s0] =	ssyncadd.s32 @!p0 s1  }
0x297: {  	[bflag:$0x3] =	sbarrier.arrive $0xFFFF  }
0x298: {  	_ =	shalt  }

</sc_bundles>
